<compile_context>
chip_gen: v7x
topology: tpu7x:2x2x1
jax: 0.10.2.dev20260603
libtpu: 0.0.44.dev20260713+nightly
codegen_flags: <defaults>
</compile_context>

<pallas_src>
import functools

import jax
import jax.numpy as jnp
from jax import lax
from jax.experimental import pallas as pl
from jax.experimental.pallas import tpu as pltpu
from jax.experimental.pallas import tpu_sc as plsc

N = 16384
D = 64
NUM_CORES = 2
NUM_SUBCORES = 16
NUM_WORKERS = NUM_CORES * NUM_SUBCORES
B_PER_W = N // NUM_WORKERS
LANES = 16
N_CHUNKS = B_PER_W // LANES
INT_PO = 1
INT_NE = 2


@functools.cache
def _build_sc_embed():
    mesh = plsc.VectorSubcoreMesh(
        core_axis_name="c",
        subcore_axis_name="s",
        num_cores=NUM_CORES,
        num_subcores=NUM_SUBCORES,
    )
    return pl.kernel(
        _sc_embed_body,
        out_type=jax.ShapeDtypeStruct((N, D), jnp.float32),
        mesh=mesh,
        compiler_params=pltpu.CompilerParams(
            use_tc_tiling_on_sc=True, needs_layout_passes=False
        ),
        scratch_types=[
            pltpu.VMEM((B_PER_W,), jnp.int32),
            pltpu.VMEM((B_PER_W,), jnp.float32),
            pltpu.VMEM((B_PER_W, D), jnp.float32),
            pltpu.SemaphoreType.DMA,
        ],
    )


def _sc_embed_body(
    types_hbm, args_hbm, table_hbm, out_hbm, idx_v, args_v, rows_v, sem
):
    wid = lax.axis_index("s") * NUM_CORES + lax.axis_index("c")
    base = wid * B_PER_W

    pltpu.sync_copy(types_hbm.at[pl.ds(base, B_PER_W)], idx_v)

    lane = lax.iota(jnp.int32, LANES)

    def chunk(i, carry):
        b16 = pl.multiple_of(i * LANES, LANES)
        t = idx_v[pl.ds(b16, LANES)]

        for l in range(LANES):
            row = jnp.max(jnp.where(lane == l, t, 0))
            pltpu.async_copy(
                table_hbm.at[pl.ds(row, 1)],
                rows_v.at[pl.ds(b16 + l, 1)],
                sem,
            )
        return carry

    lax.fori_loop(0, N_CHUNKS, chunk, 0)

    pltpu.sync_copy(args_hbm.at[pl.ds(base, B_PER_W)], args_v)

    pltpu.make_async_copy(
        table_hbm.at[pl.ds(0, B_PER_W)], rows_v, sem
    ).wait()

    col63 = lane * 0 + (D - 1)

    def fix(i, carry):
        b16 = pl.multiple_of(i * LANES, LANES)
        t = idx_v[pl.ds(b16, LANES)]
        a = args_v[pl.ds(b16, LANES)]
        m = (t == INT_PO) | (t == INT_NE)
        plsc.store_scatter(rows_v, [b16 + lane, col63], a, mask=m)
        return carry

    lax.fori_loop(0, N_CHUNKS, fix, 0)

    pltpu.sync_copy(rows_v, out_hbm.at[pl.ds(base, B_PER_W)])


def kernel(node_types, node_args, table):
    out = _build_sc_embed()(node_types, node_args, table)
    return out.reshape(N, 1, D)

# --- scband reference (transcript-rebuilt; emitter-appended) ---
"""Pipeline reference for scband-symple-embedding-29824252903911 (READ-ONLY COPY).

The authoritative reference and input builder live on the scoring server;
editing this copy changes nothing except your own understanding.
"""

import jax, jax.numpy as jnp
import numpy as np

NUM_EMBEDDINGS = 100000
EMBED_DIM = 64
INT_PO_TYPE = 1
INT_NE_TYPE = 2


def setup_inputs(seed: int = 0) -> dict:
    key = jax.random.key(seed)
    k1, k2, k3 = jax.random.split(key, 3)
    node_types = jax.random.randint(k1, (16384,), 0, NUM_EMBEDDINGS, dtype=jnp.int64 if jax.config.jax_enable_x64 else jnp.int32).astype(jnp.int32)
    node_args = jax.random.normal(k2, (16384,), dtype=jnp.float32)
    table = jax.random.normal(k3, (NUM_EMBEDDINGS, EMBED_DIM), dtype=jnp.float32) * 0.02
    return {"node_types": node_types, "node_args": node_args, "table": table}


def reference(node_types, node_args, table):
    # The original module recursively walks an ExprNode tree; here the tree is
    # flattened into parallel arrays: node_types[i] is the type id of node i,
    # node_args[i] is its integer payload (as float) for INT_PO/INT_NE nodes.
    # Per node: emb = Embedding(type); if type in (INT_NE, INT_PO): emb[-1] = arg;
    # then emb = emb[None, :].
    emb = jnp.take(table, node_types, axis=0)  # [N, D] gather (embedding lookup)
    is_int = (node_types == INT_PO_TYPE) | (node_types == INT_NE_TYPE)
    last = jnp.where(is_int, node_args, emb[:, -1])
    emb = emb.at[:, -1].set(last)
    # mimic input.embedding = input.embedding[None, :] per node -> [N, 1, D]
    return emb[:, None, :]

if __name__ == "__main__":
    import jax
    _d = setup_inputs()
    print(jax.jit(kernel)(*tuple(_d.values())))

</pallas_src>

<mosaic_0001>
#map = affine_map<(d0, d1) -> (0)>
#map1 = affine_map<(d0, d1) -> (0, 0)>
module attributes {stable_mosaic.version = 14 : i64} {
  func.func @_sc_embed_body(%arg0: i32, %arg1: i32, %arg2: memref<16384xi32, #tpu.memory_space<hbm>>, %arg3: memref<16384xf32, #tpu.memory_space<hbm>>, %arg4: memref<100000x64xf32, #tpu.memory_space<hbm>>, %arg5: memref<16384x64xf32, #tpu.memory_space<hbm>>, %arg6: memref<512xi32, #tpu.memory_space<vmem>>, %arg7: memref<512xf32, #tpu.memory_space<vmem>>, %arg8: memref<512x64xf32, #tpu.memory_space<vmem>>, %arg9: memref<!tpu.dma_semaphore, #tpu.memory_space<semaphore_mem>>) attributes {dimension_semantics = [#tpu.dimension_semantics<core_parallel>, #tpu.dimension_semantics<subcore_parallel>], iteration_bounds = array<i64: 2, 16>, scalar_prefetch = 0 : i64, scratch_operands = 4 : i64, tpu.core_type = #tpu.core_type<sc_vector_subcore>, window_params = [{transform_indices = #map}, {transform_indices = #map}, {transform_indices = #map1}, {transform_indices = #map1}]} {
    %mul3A = arith.constant 2 : i32
    %mul3A_0 = arith.muli %arg1, %mul3A : i32
    %add3A = arith.addi %mul3A_0, %arg0 : i32
    %mul3A_1 = arith.constant 512 : i32
    %mul3A_2 = arith.muli %add3A, %mul3A_1 : i32
    "tpu.region"() ({
      %run_scoped3A = tpu.sem_alloc : memref<!tpu.dma_semaphore, #tpu.memory_space<semaphore_mem>>
      %dma_start3A = tpu.memref_slice %arg2[%mul3A_2] : memref<16384xi32, #tpu.memory_space<hbm>> -> memref<512xi32, #tpu.memory_space<hbm>>
      %dma_start3A_25 = tpu.memref_slice %arg2[%mul3A_2] : memref<16384xi32, #tpu.memory_space<hbm>> -> memref<512xi32, #tpu.memory_space<hbm>>
      tpu.enqueue_dma source(%dma_start3A_25 : memref<512xi32, #tpu.memory_space<hbm>>) target(%arg6 : memref<512xi32, #tpu.memory_space<vmem>>) target_semaphore(%run_scoped3A : memref<!tpu.dma_semaphore, #tpu.memory_space<semaphore_mem>>)
      %dma_wait3A_26 = tpu.memref_slice %arg2[%mul3A_2] : memref<16384xi32, #tpu.memory_space<hbm>> -> memref<512xi32, #tpu.memory_space<hbm>>
      %dma_wait3A_27 = tpu.memref_slice %arg2[%mul3A_2] : memref<16384xi32, #tpu.memory_space<hbm>> -> memref<512xi32, #tpu.memory_space<hbm>>
      tpu.wait_dma2 semaphore(%run_scoped3A : memref<!tpu.dma_semaphore, #tpu.memory_space<semaphore_mem>>) src(%dma_wait3A_27 : memref<512xi32, #tpu.memory_space<hbm>>) dst(%arg6 : memref<512xi32, #tpu.memory_space<vmem>>)
      tpu.yield
    }) : () -> ()
    %iota3A = tpu.iota {dimensions = array<i32: 0>} : vector<16xi32>
    %scan3A = arith.constant 0 : i32
    %scan3A_3 = arith.constant 0 : i32
    %scan3A_4 = arith.constant 32 : i32
    %scan3A_5 = arith.addi %scan3A_3, %scan3A_4 : i32
    %scan3A_6 = arith.constant 1 : i32
    scf.for %scan3A_25 = %scan3A_3 to %scan3A_5 step %scan3A_6  : i32 {
      %mul3A_26 = arith.constant 16 : i32
      %mul3A_27 = arith.muli %scan3A_25, %mul3A_26 : i32
      %multiple_of3A = tpu.assume_multiple %mul3A_27, 16 : i32
      %get3A = arith.index_cast %multiple_of3A : i32 to index
      %get3A_28 = tpu.vector_load %arg6[%get3A] {strides = array<i32>} : memref<512xi32, #tpu.memory_space<vmem>>, vector<16xi32>,
      %eq3A = arith.constant 0 : i32
      %eq3A_29 = vector.broadcast %eq3A : i32 to vector<16xi32>
      %eq3A_30 = arith.cmpi eq, %iota3A, %eq3A_29 : vector<16xi32>
      %jit3A = arith.constant 0 : i32
      %broadcast_in_dim3A = vector.broadcast %jit3A : i32 to vector<16xi32>
      %select_n3A = arith.select %eq3A_30, %get3A_28, %broadcast_in_dim3A : vector<16xi1>, vector<16xi32>
      %reduce_max3A = arith.constant true
      %reduce_max3A_31 = vector.broadcast %reduce_max3A : i1 to vector<16xi1>
      %reduce_max3A_32 = arith.constant -2147483648 : i32
      %reduce_max3A_33 = vector.broadcast %reduce_max3A_32 : i32 to vector<16xi32>
      %reduce_max3A_34 = arith.xori %select_n3A, %reduce_max3A_33 : vector<16xi32>
      %reduce_max3A_35 = tpu.scan <max>, %reduce_max3A_34 masked %reduce_max3A_31 : vector<16xi32>, vector<16xi1> -> vector<16xi32>
      %reduce_max3A_36 = arith.xori %reduce_max3A_35, %reduce_max3A_33 : vector<16xi32>
      %reduce_max3A_37 = vector.extract %reduce_max3A_36[15] : i32 from vector<16xi32>
      %add3A_38 = arith.constant 0 : i32
      %add3A_39 = arith.addi %multiple_of3A, %add3A_38 : i32
      %dma_start3A = arith.constant 0 : i32
      %dma_start3A_40 = tpu.memref_slice %arg8[%add3A_39, %dma_start3A] : memref<512x64xf32, #tpu.memory_space<vmem>> -> memref<1x64xf32, #tpu.memory_space<vmem>>
      %dma_start3A_41 = arith.constant 0 : i32
      %dma_start3A_42 = tpu.memref_slice %arg4[%reduce_max3A_37, %dma_start3A_41] : memref<100000x64xf32, #tpu.memory_space<hbm>> -> memref<1x64xf32, #tpu.memory_space<hbm>>
      %dma_start3A_43 = arith.constant 0 : i32
      %dma_start3A_44 = tpu.memref_slice %arg8[%add3A_39, %dma_start3A_43] : memref<512x64xf32, #tpu.memory_space<vmem>> -> memref<1x64xf32, #tpu.memory_space<vmem>>
      %dma_start3A_45 = arith.constant 0 : i32
      %dma_start3A_46 = tpu.memref_slice %arg4[%reduce_max3A_37, %dma_start3A_45] : memref<100000x64xf32, #tpu.memory_space<hbm>> -> memref<1x64xf32, #tpu.memory_space<hbm>>
      tpu.enqueue_dma source(%dma_start3A_46 : memref<1x64xf32, #tpu.memory_space<hbm>>) target(%dma_start3A_44 : memref<1x64xf32, #tpu.memory_space<vmem>>) target_semaphore(%arg9 : memref<!tpu.dma_semaphore, #tpu.memory_space<semaphore_mem>>)
      %eq3A_47 = arith.constant 1 : i32
      %eq3A_48 = vector.broadcast %eq3A_47 : i32 to vector<16xi32>
      %eq3A_49 = arith.cmpi eq, %iota3A, %eq3A_48 : vector<16xi32>
      %jit3A_50 = arith.constant 0 : i32
      %broadcast_in_dim3A_51 = vector.broadcast %jit3A_50 : i32 to vector<16xi32>
      %select_n3A_52 = arith.select %eq3A_49, %get3A_28, %broadcast_in_dim3A_51 : vector<16xi1>, vector<16xi32>
      %reduce_max3A_53 = arith.constant true
      %reduce_max3A_54 = vector.broadcast %reduce_max3A_53 : i1 to vector<16xi1>
      %reduce_max3A_55 = arith.constant -2147483648 : i32
      %reduce_max3A_56 = vector.broadcast %reduce_max3A_55 : i32 to vector<16xi32>
      %reduce_max3A_57 = arith.xori %select_n3A_52, %reduce_max3A_56 : vector<16xi32>
      %reduce_max3A_58 = tpu.scan <max>, %reduce_max3A_57 masked %reduce_max3A_54 : vector<16xi32>, vector<16xi1> -> vector<16xi32>
      %reduce_max3A_59 = arith.xori %reduce_max3A_58, %reduce_max3A_56 : vector<16xi32>
      %reduce_max3A_60 = vector.extract %reduce_max3A_59[15] : i32 from vector<16xi32>
      %add3A_61 = arith.constant 1 : i32
      %add3A_62 = arith.addi %multiple_of3A, %add3A_61 : i32
      %dma_start3A_63 = arith.constant 0 : i32
      %dma_start3A_64 = tpu.memref_slice %arg8[%add3A_62, %dma_start3A_63] : memref<512x64xf32, #tpu.memory_space<vmem>> -> memref<1x64xf32, #tpu.memory_space<vmem>>
      %dma_start3A_65 = arith.constant 0 : i32
      %dma_start3A_66 = tpu.memref_slice %arg4[%reduce_max3A_60, %dma_start3A_65] : memref<100000x64xf32, #tpu.memory_space<hbm>> -> memref<1x64xf32, #tpu.memory_space<hbm>>
      %dma_start3A_67 = arith.constant 0 : i32
      %dma_start3A_68 = tpu.memref_slice %arg8[%add3A_62, %dma_start3A_67] : memref<512x64xf32, #tpu.memory_space<vmem>> -> memref<1x64xf32, #tpu.memory_space<vmem>>
      %dma_start3A_69 = arith.constant 0 : i32
      %dma_start3A_70 = tpu.memref_slice %arg4[%reduce_max3A_60, %dma_start3A_69] : memref<100000x64xf32, #tpu.memory_space<hbm>> -> memref<1x64xf32, #tpu.memory_space<hbm>>
      tpu.enqueue_dma source(%dma_start3A_70 : memref<1x64xf32, #tpu.memory_space<hbm>>) target(%dma_start3A_68 : memref<1x64xf32, #tpu.memory_space<vmem>>) target_semaphore(%arg9 : memref<!tpu.dma_semaphore, #tpu.memory_space<semaphore_mem>>)
      %eq3A_71 = arith.constant 2 : i32
      %eq3A_72 = vector.broadcast %eq3A_71 : i32 to vector<16xi32>
      %eq3A_73 = arith.cmpi eq, %iota3A, %eq3A_72 : vector<16xi32>
      %jit3A_74 = arith.constant 0 : i32
      %broadcast_in_dim3A_75 = vector.broadcast %jit3A_74 : i32 to vector<16xi32>
      %select_n3A_76 = arith.select %eq3A_73, %get3A_28, %broadcast_in_dim3A_75 : vector<16xi1>, vector<16xi32>
      %reduce_max3A_77 = arith.constant true
      %reduce_max3A_78 = vector.broadcast %reduce_max3A_77 : i1 to vector<16xi1>
      %reduce_max3A_79 = arith.constant -2147483648 : i32
      %reduce_max3A_80 = vector.broadcast %reduce_max3A_79 : i32 to vector<16xi32>
      %reduce_max3A_81 = arith.xori %select_n3A_76, %reduce_max3A_80 : vector<16xi32>
      %reduce_max3A_82 = tpu.scan <max>, %reduce_max3A_81 masked %reduce_max3A_78 : vector<16xi32>, vector<16xi1> -> vector<16xi32>
      %reduce_max3A_83 = arith.xori %reduce_max3A_82, %reduce_max3A_80 : vector<16xi32>
      %reduce_max3A_84 = vector.extract %reduce_max3A_83[15] : i32 from vector<16xi32>
      %add3A_85 = arith.constant 2 : i32
      %add3A_86 = arith.addi %multiple_of3A, %add3A_85 : i32
      %dma_start3A_87 = arith.constant 0 : i32
      %dma_start3A_88 = tpu.memref_slice %arg8[%add3A_86, %dma_start3A_87] : memref<512x64xf32, #tpu.memory_space<vmem>> -> memref<1x64xf32, #tpu.memory_space<vmem>>
      %dma_start3A_89 = arith.constant 0 : i32
      %dma_start3A_90 = tpu.memref_slice %arg4[%reduce_max3A_84, %dma_start3A_89] : memref<100000x64xf32, #tpu.memory_space<hbm>> -> memref<1x64xf32, #tpu.memory_space<hbm>>
      %dma_start3A_91 = arith.constant 0 : i32
      %dma_start3A_92 = tpu.memref_slice %arg8[%add3A_86, %dma_start3A_91] : memref<512x64xf32, #tpu.memory_space<vmem>> -> memref<1x64xf32, #tpu.memory_space<vmem>>
      %dma_start3A_93 = arith.constant 0 : i32
      %dma_start3A_94 = tpu.memref_slice %arg4[%reduce_max3A_84, %dma_start3A_93] : memref<100000x64xf32, #tpu.memory_space<hbm>> -> memref<1x64xf32, #tpu.memory_space<hbm>>
      tpu.enqueue_dma source(%dma_start3A_94 : memref<1x64xf32, #tpu.memory_space<hbm>>) target(%dma_start3A_92 : memref<1x64xf32, #tpu.memory_space<vmem>>) target_semaphore(%arg9 : memref<!tpu.dma_semaphore, #tpu.memory_space<semaphore_mem>>)
      %eq3A_95 = arith.constant 3 : i32
      %eq3A_96 = vector.broadcast %eq3A_95 : i32 to vector<16xi32>
      %eq3A_97 = arith.cmpi eq, %iota3A, %eq3A_96 : vector<16xi32>
      %jit3A_98 = arith.constant 0 : i32
      %broadcast_in_dim3A_99 = vector.broadcast %jit3A_98 : i32 to vector<16xi32>
      %select_n3A_100 = arith.select %eq3A_97, %get3A_28, %broadcast_in_dim3A_99 : vector<16xi1>, vector<16xi32>
      %reduce_max3A_101 = arith.constant true
      %reduce_max3A_102 = vector.broadcast %reduce_max3A_101 : i1 to vector<16xi1>
      %reduce_max3A_103 = arith.constant -2147483648 : i32
      %reduce_max3A_104 = vector.broadcast %reduce_max3A_103 : i32 to vector<16xi32>
      %reduce_max3A_105 = arith.xori %select_n3A_100, %reduce_max3A_104 : vector<16xi32>
      %reduce_max3A_106 = tpu.scan <max>, %reduce_max3A_105 masked %reduce_max3A_102 : vector<16xi32>, vector<16xi1> -> vector<16xi32>
      %reduce_max3A_107 = arith.xori %reduce_max3A_106, %reduce_max3A_104 : vector<16xi32>
      %reduce_max3A_108 = vector.extract %reduce_max3A_107[15] : i32 from vector<16xi32>
      %add3A_109 = arith.constant 3 : i32
      %add3A_110 = arith.addi %multiple_of3A, %add3A_109 : i32
      %dma_start3A_111 = arith.constant 0 : i32
      %dma_start3A_112 = tpu.memref_slice %arg8[%add3A_110, %dma_start3A_111] : memref<512x64xf32, #tpu.memory_space<vmem>> -> memref<1x64xf32, #tpu.memory_space<vmem>>
      %dma_start3A_113 = arith.constant 0 : i32
      %dma_start3A_114 = tpu.memref_slice %arg4[%reduce_max3A_108, %dma_start3A_113] : memref<100000x64xf32, #tpu.memory_space<hbm>> -> memref<1x64xf32, #tpu.memory_space<hbm>>
      %dma_start3A_115 = arith.constant 0 : i32
      %dma_start3A_116 = tpu.memref_slice %arg8[%add3A_110, %dma_start3A_115] : memref<512x64xf32, #tpu.memory_space<vmem>> -> memref<1x64xf32, #tpu.memory_space<vmem>>
      %dma_start3A_117 = arith.constant 0 : i32
      %dma_start3A_118 = tpu.memref_slice %arg4[%reduce_max3A_108, %dma_start3A_117] : memref<100000x64xf32, #tpu.memory_space<hbm>> -> memref<1x64xf32, #tpu.memory_space<hbm>>
      tpu.enqueue_dma source(%dma_start3A_118 : memref<1x64xf32, #tpu.memory_space<hbm>>) target(%dma_start3A_116 : memref<1x64xf32, #tpu.memory_space<vmem>>) target_semaphore(%arg9 : memref<!tpu.dma_semaphore, #tpu.memory_space<semaphore_mem>>)
      %eq3A_119 = arith.constant 4 : i32
      %eq3A_120 = vector.broadcast %eq3A_119 : i32 to vector<16xi32>
      %eq3A_121 = arith.cmpi eq, %iota3A, %eq3A_120 : vector<16xi32>
      %jit3A_122 = arith.constant 0 : i32
      %broadcast_in_dim3A_123 = vector.broadcast %jit3A_122 : i32 to vector<16xi32>
      %select_n3A_124 = arith.select %eq3A_121, %get3A_28, %broadcast_in_dim3A_123 : vector<16xi1>, vector<16xi32>
      %reduce_max3A_125 = arith.constant true
      %reduce_max3A_126 = vector.broadcast %reduce_max3A_125 : i1 to vector<16xi1>
      %reduce_max3A_127 = arith.constant -2147483648 : i32
      %reduce_max3A_128 = vector.broadcast %reduce_max3A_127 : i32 to vector<16xi32>
      %reduce_max3A_129 = arith.xori %select_n3A_124, %reduce_max3A_128 : vector<16xi32>
      %reduce_max3A_130 = tpu.scan <max>, %reduce_max3A_129 masked %reduce_max3A_126 : vector<16xi32>, vector<16xi1> -> vector<16xi32>
      %reduce_max3A_131 = arith.xori %reduce_max3A_130, %reduce_max3A_128 : vector<16xi32>
      %reduce_max3A_132 = vector.extract %reduce_max3A_131[15] : i32 from vector<16xi32>
      %add3A_133 = arith.constant 4 : i32
      %add3A_134 = arith.addi %multiple_of3A, %add3A_133 : i32
      %dma_start3A_135 = arith.constant 0 : i32
      %dma_start3A_136 = tpu.memref_slice %arg8[%add3A_134, %dma_start3A_135] : memref<512x64xf32, #tpu.memory_space<vmem>> -> memref<1x64xf32, #tpu.memory_space<vmem>>
      %dma_start3A_137 = arith.constant 0 : i32
      %dma_start3A_138 = tpu.memref_slice %arg4[%reduce_max3A_132, %dma_start3A_137] : memref<100000x64xf32, #tpu.memory_space<hbm>> -> memref<1x64xf32, #tpu.memory_space<hbm>>
      %dma_start3A_139 = arith.constant 0 : i32
      %dma_start3A_140 = tpu.memref_slice %arg8[%add3A_134, %dma_start3A_139] : memref<512x64xf32, #tpu.memory_space<vmem>> -> memref<1x64xf32, #tpu.memory_space<vmem>>
      %dma_start3A_141 = arith.constant 0 : i32
      %dma_start3A_142 = tpu.memref_slice %arg4[%reduce_max3A_132, %dma_start3A_141] : memref<100000x64xf32, #tpu.memory_space<hbm>> -> memref<1x64xf32, #tpu.memory_space<hbm>>
      tpu.enqueue_dma source(%dma_start3A_142 : memref<1x64xf32, #tpu.memory_space<hbm>>) target(%dma_start3A_140 : memref<1x64xf32, #tpu.memory_space<vmem>>) target_semaphore(%arg9 : memref<!tpu.dma_semaphore, #tpu.memory_space<semaphore_mem>>)
      %eq3A_143 = arith.constant 5 : i32
      %eq3A_144 = vector.broadcast %eq3A_143 : i32 to vector<16xi32>
      %eq3A_145 = arith.cmpi eq, %iota3A, %eq3A_144 : vector<16xi32>
      %jit3A_146 = arith.constant 0 : i32
      %broadcast_in_dim3A_147 = vector.broadcast %jit3A_146 : i32 to vector<16xi32>
      %select_n3A_148 = arith.select %eq3A_145, %get3A_28, %broadcast_in_dim3A_147 : vector<16xi1>, vector<16xi32>
      %reduce_max3A_149 = arith.constant true
      %reduce_max3A_150 = vector.broadcast %reduce_max3A_149 : i1 to vector<16xi1>
      %reduce_max3A_151 = arith.constant -2147483648 : i32
      %reduce_max3A_152 = vector.broadcast %reduce_max3A_151 : i32 to vector<16xi32>
      %reduce_max3A_153 = arith.xori %select_n3A_148, %reduce_max3A_152 : vector<16xi32>
      %reduce_max3A_154 = tpu.scan <max>, %reduce_max3A_153 masked %reduce_max3A_150 : vector<16xi32>, vector<16xi1> -> vector<16xi32>
      %reduce_max3A_155 = arith.xori %reduce_max3A_154, %reduce_max3A_152 : vector<16xi32>
      %reduce_max3A_156 = vector.extract %reduce_max3A_155[15] : i32 from vector<16xi32>
      %add3A_157 = arith.constant 5 : i32
      %add3A_158 = arith.addi %multiple_of3A, %add3A_157 : i32
      %dma_start3A_159 = arith.constant 0 : i32
      %dma_start3A_160 = tpu.memref_slice %arg8[%add3A_158, %dma_start3A_159] : memref<512x64xf32, #tpu.memory_space<vmem>> -> memref<1x64xf32, #tpu.memory_space<vmem>>
      %dma_start3A_161 = arith.constant 0 : i32
      %dma_start3A_162 = tpu.memref_slice %arg4[%reduce_max3A_156, %dma_start3A_161] : memref<100000x64xf32, #tpu.memory_space<hbm>> -> memref<1x64xf32, #tpu.memory_space<hbm>>
      %dma_start3A_163 = arith.constant 0 : i32
      %dma_start3A_164 = tpu.memref_slice %arg8[%add3A_158, %dma_start3A_163] : memref<512x64xf32, #tpu.memory_space<vmem>> -> memref<1x64xf32, #tpu.memory_space<vmem>>
      %dma_start3A_165 = arith.constant 0 : i32
      %dma_start3A_166 = tpu.memref_slice %arg4[%reduce_max3A_156, %dma_start3A_165] : memref<100000x64xf32, #tpu.memory_space<hbm>> -> memref<1x64xf32, #tpu.memory_space<hbm>>
      tpu.enqueue_dma source(%dma_start3A_166 : memref<1x64xf32, #tpu.memory_space<hbm>>) target(%dma_start3A_164 : memref<1x64xf32, #tpu.memory_space<vmem>>) target_semaphore(%arg9 : memref<!tpu.dma_semaphore, #tpu.memory_space<semaphore_mem>>)
      %eq3A_167 = arith.constant 6 : i32
      %eq3A_168 = vector.broadcast %eq3A_167 : i32 to vector<16xi32>
      %eq3A_169 = arith.cmpi eq, %iota3A, %eq3A_168 : vector<16xi32>
      %jit3A_170 = arith.constant 0 : i32
      %broadcast_in_dim3A_171 = vector.broadcast %jit3A_170 : i32 to vector<16xi32>
      %select_n3A_172 = arith.select %eq3A_169, %get3A_28, %broadcast_in_dim3A_171 : vector<16xi1>, vector<16xi32>
      %reduce_max3A_173 = arith.constant true
      %reduce_max3A_174 = vector.broadcast %reduce_max3A_173 : i1 to vector<16xi1>
      %reduce_max3A_175 = arith.constant -2147483648 : i32
      %reduce_max3A_176 = vector.broadcast %reduce_max3A_175 : i32 to vector<16xi32>
      %reduce_max3A_177 = arith.xori %select_n3A_172, %reduce_max3A_176 : vector<16xi32>
      %reduce_max3A_178 = tpu.scan <max>, %reduce_max3A_177 masked %reduce_max3A_174 : vector<16xi32>, vector<16xi1> -> vector<16xi32>
      %reduce_max3A_179 = arith.xori %reduce_max3A_178, %reduce_max3A_176 : vector<16xi32>
      %reduce_max3A_180 = vector.extract %reduce_max3A_179[15] : i32 from vector<16xi32>
      %add3A_181 = arith.constant 6 : i32
      %add3A_182 = arith.addi %multiple_of3A, %add3A_181 : i32
      %dma_start3A_183 = arith.constant 0 : i32
      %dma_start3A_184 = tpu.memref_slice %arg8[%add3A_182, %dma_start3A_183] : memref<512x64xf32, #tpu.memory_space<vmem>> -> memref<1x64xf32, #tpu.memory_space<vmem>>
      %dma_start3A_185 = arith.constant 0 : i32
      %dma_start3A_186 = tpu.memref_slice %arg4[%reduce_max3A_180, %dma_start3A_185] : memref<100000x64xf32, #tpu.memory_space<hbm>> -> memref<1x64xf32, #tpu.memory_space<hbm>>
      %dma_start3A_187 = arith.constant 0 : i32
      %dma_start3A_188 = tpu.memref_slice %arg8[%add3A_182, %dma_start3A_187] : memref<512x64xf32, #tpu.memory_space<vmem>> -> memref<1x64xf32, #tpu.memory_space<vmem>>
      %dma_start3A_189 = arith.constant 0 : i32
      %dma_start3A_190 = tpu.memref_slice %arg4[%reduce_max3A_180, %dma_start3A_189] : memref<100000x64xf32, #tpu.memory_space<hbm>> -> memref<1x64xf32, #tpu.memory_space<hbm>>
      tpu.enqueue_dma source(%dma_start3A_190 : memref<1x64xf32, #tpu.memory_space<hbm>>) target(%dma_start3A_188 : memref<1x64xf32, #tpu.memory_space<vmem>>) target_semaphore(%arg9 : memref<!tpu.dma_semaphore, #tpu.memory_space<semaphore_mem>>)
      %eq3A_191 = arith.constant 7 : i32
      %eq3A_192 = vector.broadcast %eq3A_191 : i32 to vector<16xi32>
      %eq3A_193 = arith.cmpi eq, %iota3A, %eq3A_192 : vector<16xi32>
      %jit3A_194 = arith.constant 0 : i32
      %broadcast_in_dim3A_195 = vector.broadcast %jit3A_194 : i32 to vector<16xi32>
      %select_n3A_196 = arith.select %eq3A_193, %get3A_28, %broadcast_in_dim3A_195 : vector<16xi1>, vector<16xi32>
      %reduce_max3A_197 = arith.constant true
      %reduce_max3A_198 = vector.broadcast %reduce_max3A_197 : i1 to vector<16xi1>
      %reduce_max3A_199 = arith.constant -2147483648 : i32
      %reduce_max3A_200 = vector.broadcast %reduce_max3A_199 : i32 to vector<16xi32>
      %reduce_max3A_201 = arith.xori %select_n3A_196, %reduce_max3A_200 : vector<16xi32>
      %reduce_max3A_202 = tpu.scan <max>, %reduce_max3A_201 masked %reduce_max3A_198 : vector<16xi32>, vector<16xi1> -> vector<16xi32>
      %reduce_max3A_203 = arith.xori %reduce_max3A_202, %reduce_max3A_200 : vector<16xi32>
      %reduce_max3A_204 = vector.extract %reduce_max3A_203[15] : i32 from vector<16xi32>
      %add3A_205 = arith.constant 7 : i32
      %add3A_206 = arith.addi %multiple_of3A, %add3A_205 : i32
      %dma_start3A_207 = arith.constant 0 : i32
      %dma_start3A_208 = tpu.memref_slice %arg8[%add3A_206, %dma_start3A_207] : memref<512x64xf32, #tpu.memory_space<vmem>> -> memref<1x64xf32, #tpu.memory_space<vmem>>
      %dma_start3A_209 = arith.constant 0 : i32
      %dma_start3A_210 = tpu.memref_slice %arg4[%reduce_max3A_204, %dma_start3A_209] : memref<100000x64xf32, #tpu.memory_space<hbm>> -> memref<1x64xf32, #tpu.memory_space<hbm>>
      %dma_start3A_211 = arith.constant 0 : i32
      %dma_start3A_212 = tpu.memref_slice %arg8[%add3A_206, %dma_start3A_211] : memref<512x64xf32, #tpu.memory_space<vmem>> -> memref<1x64xf32, #tpu.memory_space<vmem>>
      %dma_start3A_213 = arith.constant 0 : i32
      %dma_start3A_214 = tpu.memref_slice %arg4[%reduce_max3A_204, %dma_start3A_213] : memref<100000x64xf32, #tpu.memory_space<hbm>> -> memref<1x64xf32, #tpu.memory_space<hbm>>
      tpu.enqueue_dma source(%dma_start3A_214 : memref<1x64xf32, #tpu.memory_space<hbm>>) target(%dma_start3A_212 : memref<1x64xf32, #tpu.memory_space<vmem>>) target_semaphore(%arg9 : memref<!tpu.dma_semaphore, #tpu.memory_space<semaphore_mem>>)
      %eq3A_215 = arith.constant 8 : i32
      %eq3A_216 = vector.broadcast %eq3A_215 : i32 to vector<16xi32>
      %eq3A_217 = arith.cmpi eq, %iota3A, %eq3A_216 : vector<16xi32>
      %jit3A_218 = arith.constant 0 : i32
      %broadcast_in_dim3A_219 = vector.broadcast %jit3A_218 : i32 to vector<16xi32>
      %select_n3A_220 = arith.select %eq3A_217, %get3A_28, %broadcast_in_dim3A_219 : vector<16xi1>, vector<16xi32>
      %reduce_max3A_221 = arith.constant true
      %reduce_max3A_222 = vector.broadcast %reduce_max3A_221 : i1 to vector<16xi1>
      %reduce_max3A_223 = arith.constant -2147483648 : i32
      %reduce_max3A_224 = vector.broadcast %reduce_max3A_223 : i32 to vector<16xi32>
      %reduce_max3A_225 = arith.xori %select_n3A_220, %reduce_max3A_224 : vector<16xi32>
      %reduce_max3A_226 = tpu.scan <max>, %reduce_max3A_225 masked %reduce_max3A_222 : vector<16xi32>, vector<16xi1> -> vector<16xi32>
      %reduce_max3A_227 = arith.xori %reduce_max3A_226, %reduce_max3A_224 : vector<16xi32>
      %reduce_max3A_228 = vector.extract %reduce_max3A_227[15] : i32 from vector<16xi32>
      %add3A_229 = arith.constant 8 : i32
      %add3A_230 = arith.addi %multiple_of3A, %add3A_229 : i32
      %dma_start3A_231 = arith.constant 0 : i32
      %dma_start3A_232 = tpu.memref_slice %arg8[%add3A_230, %dma_start3A_231] : memref<512x64xf32, #tpu.memory_space<vmem>> -> memref<1x64xf32, #tpu.memory_space<vmem>>
      %dma_start3A_233 = arith.constant 0 : i32
      %dma_start3A_234 = tpu.memref_slice %arg4[%reduce_max3A_228, %dma_start3A_233] : memref<100000x64xf32, #tpu.memory_space<hbm>> -> memref<1x64xf32, #tpu.memory_space<hbm>>
      %dma_start3A_235 = arith.constant 0 : i32
      %dma_start3A_236 = tpu.memref_slice %arg8[%add3A_230, %dma_start3A_235] : memref<512x64xf32, #tpu.memory_space<vmem>> -> memref<1x64xf32, #tpu.memory_space<vmem>>
      %dma_start3A_237 = arith.constant 0 : i32
      %dma_start3A_238 = tpu.memref_slice %arg4[%reduce_max3A_228, %dma_start3A_237] : memref<100000x64xf32, #tpu.memory_space<hbm>> -> memref<1x64xf32, #tpu.memory_space<hbm>>
      tpu.enqueue_dma source(%dma_start3A_238 : memref<1x64xf32, #tpu.memory_space<hbm>>) target(%dma_start3A_236 : memref<1x64xf32, #tpu.memory_space<vmem>>) target_semaphore(%arg9 : memref<!tpu.dma_semaphore, #tpu.memory_space<semaphore_mem>>)
      %eq3A_239 = arith.constant 9 : i32
      %eq3A_240 = vector.broadcast %eq3A_239 : i32 to vector<16xi32>
      %eq3A_241 = arith.cmpi eq, %iota3A, %eq3A_240 : vector<16xi32>
      %jit3A_242 = arith.constant 0 : i32
      %broadcast_in_dim3A_243 = vector.broadcast %jit3A_242 : i32 to vector<16xi32>
      %select_n3A_244 = arith.select %eq3A_241, %get3A_28, %broadcast_in_dim3A_243 : vector<16xi1>, vector<16xi32>
      %reduce_max3A_245 = arith.constant true
      %reduce_max3A_246 = vector.broadcast %reduce_max3A_245 : i1 to vector<16xi1>
      %reduce_max3A_247 = arith.constant -2147483648 : i32
      %reduce_max3A_248 = vector.broadcast %reduce_max3A_247 : i32 to vector<16xi32>
      %reduce_max3A_249 = arith.xori %select_n3A_244, %reduce_max3A_248 : vector<16xi32>
      %reduce_max3A_250 = tpu.scan <max>, %reduce_max3A_249 masked %reduce_max3A_246 : vector<16xi32>, vector<16xi1> -> vector<16xi32>
      %reduce_max3A_251 = arith.xori %reduce_max3A_250, %reduce_max3A_248 : vector<16xi32>
      %reduce_max3A_252 = vector.extract %reduce_max3A_251[15] : i32 from vector<16xi32>
      %add3A_253 = arith.constant 9 : i32
      %add3A_254 = arith.addi %multiple_of3A, %add3A_253 : i32
      %dma_start3A_255 = arith.constant 0 : i32
      %dma_start3A_256 = tpu.memref_slice %arg8[%add3A_254, %dma_start3A_255] : memref<512x64xf32, #tpu.memory_space<vmem>> -> memref<1x64xf32, #tpu.memory_space<vmem>>
      %dma_start3A_257 = arith.constant 0 : i32
      %dma_start3A_258 = tpu.memref_slice %arg4[%reduce_max3A_252, %dma_start3A_257] : memref<100000x64xf32, #tpu.memory_space<hbm>> -> memref<1x64xf32, #tpu.memory_space<hbm>>
      %dma_start3A_259 = arith.constant 0 : i32
      %dma_start3A_260 = tpu.memref_slice %arg8[%add3A_254, %dma_start3A_259] : memref<512x64xf32, #tpu.memory_space<vmem>> -> memref<1x64xf32, #tpu.memory_space<vmem>>
      %dma_start3A_261 = arith.constant 0 : i32
      %dma_start3A_262 = tpu.memref_slice %arg4[%reduce_max3A_252, %dma_start3A_261] : memref<100000x64xf32, #tpu.memory_space<hbm>> -> memref<1x64xf32, #tpu.memory_space<hbm>>
      tpu.enqueue_dma source(%dma_start3A_262 : memref<1x64xf32, #tpu.memory_space<hbm>>) target(%dma_start3A_260 : memref<1x64xf32, #tpu.memory_space<vmem>>) target_semaphore(%arg9 : memref<!tpu.dma_semaphore, #tpu.memory_space<semaphore_mem>>)
      %eq3A_263 = arith.constant 10 : i32
      %eq3A_264 = vector.broadcast %eq3A_263 : i32 to vector<16xi32>
      %eq3A_265 = arith.cmpi eq, %iota3A, %eq3A_264 : vector<16xi32>
      %jit3A_266 = arith.constant 0 : i32
      %broadcast_in_dim3A_267 = vector.broadcast %jit3A_266 : i32 to vector<16xi32>
      %select_n3A_268 = arith.select %eq3A_265, %get3A_28, %broadcast_in_dim3A_267 : vector<16xi1>, vector<16xi32>
      %reduce_max3A_269 = arith.constant true
      %reduce_max3A_270 = vector.broadcast %reduce_max3A_269 : i1 to vector<16xi1>
      %reduce_max3A_271 = arith.constant -2147483648 : i32
      %reduce_max3A_272 = vector.broadcast %reduce_max3A_271 : i32 to vector<16xi32>
      %reduce_max3A_273 = arith.xori %select_n3A_268, %reduce_max3A_272 : vector<16xi32>
      %reduce_max3A_274 = tpu.scan <max>, %reduce_max3A_273 masked %reduce_max3A_270 : vector<16xi32>, vector<16xi1> -> vector<16xi32>
      %reduce_max3A_275 = arith.xori %reduce_max3A_274, %reduce_max3A_272 : vector<16xi32>
      %reduce_max3A_276 = vector.extract %reduce_max3A_275[15] : i32 from vector<16xi32>
      %add3A_277 = arith.constant 10 : i32
      %add3A_278 = arith.addi %multiple_of3A, %add3A_277 : i32
      %dma_start3A_279 = arith.constant 0 : i32
      %dma_start3A_280 = tpu.memref_slice %arg8[%add3A_278, %dma_start3A_279] : memref<512x64xf32, #tpu.memory_space<vmem>> -> memref<1x64xf32, #tpu.memory_space<vmem>>
      %dma_start3A_281 = arith.constant 0 : i32
      %dma_start3A_282 = tpu.memref_slice %arg4[%reduce_max3A_276, %dma_start3A_281] : memref<100000x64xf32, #tpu.memory_space<hbm>> -> memref<1x64xf32, #tpu.memory_space<hbm>>
      %dma_start3A_283 = arith.constant 0 : i32
      %dma_start3A_284 = tpu.memref_slice %arg8[%add3A_278, %dma_start3A_283] : memref<512x64xf32, #tpu.memory_space<vmem>> -> memref<1x64xf32, #tpu.memory_space<vmem>>
      %dma_start3A_285 = arith.constant 0 : i32
      %dma_start3A_286 = tpu.memref_slice %arg4[%reduce_max3A_276, %dma_start3A_285] : memref<100000x64xf32, #tpu.memory_space<hbm>> -> memref<1x64xf32, #tpu.memory_space<hbm>>
      tpu.enqueue_dma source(%dma_start3A_286 : memref<1x64xf32, #tpu.memory_space<hbm>>) target(%dma_start3A_284 : memref<1x64xf32, #tpu.memory_space<vmem>>) target_semaphore(%arg9 : memref<!tpu.dma_semaphore, #tpu.memory_space<semaphore_mem>>)
      %eq3A_287 = arith.constant 11 : i32
      %eq3A_288 = vector.broadcast %eq3A_287 : i32 to vector<16xi32>
      %eq3A_289 = arith.cmpi eq, %iota3A, %eq3A_288 : vector<16xi32>
      %jit3A_290 = arith.constant 0 : i32
      %broadcast_in_dim3A_291 = vector.broadcast %jit3A_290 : i32 to vector<16xi32>
      %select_n3A_292 = arith.select %eq3A_289, %get3A_28, %broadcast_in_dim3A_291 : vector<16xi1>, vector<16xi32>
      %reduce_max3A_293 = arith.constant true
      %reduce_max3A_294 = vector.broadcast %reduce_max3A_293 : i1 to vector<16xi1>
      %reduce_max3A_295 = arith.constant -2147483648 : i32
      %reduce_max3A_296 = vector.broadcast %reduce_max3A_295 : i32 to vector<16xi32>
      %reduce_max3A_297 = arith.xori %select_n3A_292, %reduce_max3A_296 : vector<16xi32>
      %reduce_max3A_298 = tpu.scan <max>, %reduce_max3A_297 masked %reduce_max3A_294 : vector<16xi32>, vector<16xi1> -> vector<16xi32>
      %reduce_max3A_299 = arith.xori %reduce_max3A_298, %reduce_max3A_296 : vector<16xi32>
      %reduce_max3A_300 = vector.extract %reduce_max3A_299[15] : i32 from vector<16xi32>
      %add3A_301 = arith.constant 11 : i32
      %add3A_302 = arith.addi %multiple_of3A, %add3A_301 : i32
      %dma_start3A_303 = arith.constant 0 : i32
      %dma_start3A_304 = tpu.memref_slice %arg8[%add3A_302, %dma_start3A_303] : memref<512x64xf32, #tpu.memory_space<vmem>> -> memref<1x64xf32, #tpu.memory_space<vmem>>
      %dma_start3A_305 = arith.constant 0 : i32
      %dma_start3A_306 = tpu.memref_slice %arg4[%reduce_max3A_300, %dma_start3A_305] : memref<100000x64xf32, #tpu.memory_space<hbm>> -> memref<1x64xf32, #tpu.memory_space<hbm>>
      %dma_start3A_307 = arith.constant 0 : i32
      %dma_start3A_308 = tpu.memref_slice %arg8[%add3A_302, %dma_start3A_307] : memref<512x64xf32, #tpu.memory_space<vmem>> -> memref<1x64xf32, #tpu.memory_space<vmem>>
      %dma_start3A_309 = arith.constant 0 : i32
      %dma_start3A_310 = tpu.memref_slice %arg4[%reduce_max3A_300, %dma_start3A_309] : memref<100000x64xf32, #tpu.memory_space<hbm>> -> memref<1x64xf32, #tpu.memory_space<hbm>>
      tpu.enqueue_dma source(%dma_start3A_310 : memref<1x64xf32, #tpu.memory_space<hbm>>) target(%dma_start3A_308 : memref<1x64xf32, #tpu.memory_space<vmem>>) target_semaphore(%arg9 : memref<!tpu.dma_semaphore, #tpu.memory_space<semaphore_mem>>)
      %eq3A_311 = arith.constant 12 : i32
      %eq3A_312 = vector.broadcast %eq3A_311 : i32 to vector<16xi32>
      %eq3A_313 = arith.cmpi eq, %iota3A, %eq3A_312 : vector<16xi32>
      %jit3A_314 = arith.constant 0 : i32
      %broadcast_in_dim3A_315 = vector.broadcast %jit3A_314 : i32 to vector<16xi32>
      %select_n3A_316 = arith.select %eq3A_313, %get3A_28, %broadcast_in_dim3A_315 : vector<16xi1>, vector<16xi32>
      %reduce_max3A_317 = arith.constant true
      %reduce_max3A_318 = vector.broadcast %reduce_max3A_317 : i1 to vector<16xi1>
      %reduce_max3A_319 = arith.constant -2147483648 : i32
      %reduce_max3A_320 = vector.broadcast %reduce_max3A_319 : i32 to vector<16xi32>
      %reduce_max3A_321 = arith.xori %select_n3A_316, %reduce_max3A_320 : vector<16xi32>
      %reduce_max3A_322 = tpu.scan <max>, %reduce_max3A_321 masked %reduce_max3A_318 : vector<16xi32>, vector<16xi1> -> vector<16xi32>
      %reduce_max3A_323 = arith.xori %reduce_max3A_322, %reduce_max3A_320 : vector<16xi32>
      %reduce_max3A_324 = vector.extract %reduce_max3A_323[15] : i32 from vector<16xi32>
      %add3A_325 = arith.constant 12 : i32
      %add3A_326 = arith.addi %multiple_of3A, %add3A_325 : i32
      %dma_start3A_327 = arith.constant 0 : i32
      %dma_start3A_328 = tpu.memref_slice %arg8[%add3A_326, %dma_start3A_327] : memref<512x64xf32, #tpu.memory_space<vmem>> -> memref<1x64xf32, #tpu.memory_space<vmem>>
      %dma_start3A_329 = arith.constant 0 : i32
      %dma_start3A_330 = tpu.memref_slice %arg4[%reduce_max3A_324, %dma_start3A_329] : memref<100000x64xf32, #tpu.memory_space<hbm>> -> memref<1x64xf32, #tpu.memory_space<hbm>>
      %dma_start3A_331 = arith.constant 0 : i32
      %dma_start3A_332 = tpu.memref_slice %arg8[%add3A_326, %dma_start3A_331] : memref<512x64xf32, #tpu.memory_space<vmem>> -> memref<1x64xf32, #tpu.memory_space<vmem>>
      %dma_start3A_333 = arith.constant 0 : i32
      %dma_start3A_334 = tpu.memref_slice %arg4[%reduce_max3A_324, %dma_start3A_333] : memref<100000x64xf32, #tpu.memory_space<hbm>> -> memref<1x64xf32, #tpu.memory_space<hbm>>
      tpu.enqueue_dma source(%dma_start3A_334 : memref<1x64xf32, #tpu.memory_space<hbm>>) target(%dma_start3A_332 : memref<1x64xf32, #tpu.memory_space<vmem>>) target_semaphore(%arg9 : memref<!tpu.dma_semaphore, #tpu.memory_space<semaphore_mem>>)
      %eq3A_335 = arith.constant 13 : i32
      %eq3A_336 = vector.broadcast %eq3A_335 : i32 to vector<16xi32>
      %eq3A_337 = arith.cmpi eq, %iota3A, %eq3A_336 : vector<16xi32>
      %jit3A_338 = arith.constant 0 : i32
      %broadcast_in_dim3A_339 = vector.broadcast %jit3A_338 : i32 to vector<16xi32>
      %select_n3A_340 = arith.select %eq3A_337, %get3A_28, %broadcast_in_dim3A_339 : vector<16xi1>, vector<16xi32>
      %reduce_max3A_341 = arith.constant true
      %reduce_max3A_342 = vector.broadcast %reduce_max3A_341 : i1 to vector<16xi1>
      %reduce_max3A_343 = arith.constant -2147483648 : i32
      %reduce_max3A_344 = vector.broadcast %reduce_max3A_343 : i32 to vector<16xi32>
      %reduce_max3A_345 = arith.xori %select_n3A_340, %reduce_max3A_344 : vector<16xi32>
      %reduce_max3A_346 = tpu.scan <max>, %reduce_max3A_345 masked %reduce_max3A_342 : vector<16xi32>, vector<16xi1> -> vector<16xi32>
      %reduce_max3A_347 = arith.xori %reduce_max3A_346, %reduce_max3A_344 : vector<16xi32>
      %reduce_max3A_348 = vector.extract %reduce_max3A_347[15] : i32 from vector<16xi32>
      %add3A_349 = arith.constant 13 : i32
      %add3A_350 = arith.addi %multiple_of3A, %add3A_349 : i32
      %dma_start3A_351 = arith.constant 0 : i32
      %dma_start3A_352 = tpu.memref_slice %arg8[%add3A_350, %dma_start3A_351] : memref<512x64xf32, #tpu.memory_space<vmem>> -> memref<1x64xf32, #tpu.memory_space<vmem>>
      %dma_start3A_353 = arith.constant 0 : i32
      %dma_start3A_354 = tpu.memref_slice %arg4[%reduce_max3A_348, %dma_start3A_353] : memref<100000x64xf32, #tpu.memory_space<hbm>> -> memref<1x64xf32, #tpu.memory_space<hbm>>
      %dma_start3A_355 = arith.constant 0 : i32
      %dma_start3A_356 = tpu.memref_slice %arg8[%add3A_350, %dma_start3A_355] : memref<512x64xf32, #tpu.memory_space<vmem>> -> memref<1x64xf32, #tpu.memory_space<vmem>>
      %dma_start3A_357 = arith.constant 0 : i32
      %dma_start3A_358 = tpu.memref_slice %arg4[%reduce_max3A_348, %dma_start3A_357] : memref<100000x64xf32, #tpu.memory_space<hbm>> -> memref<1x64xf32, #tpu.memory_space<hbm>>
      tpu.enqueue_dma source(%dma_start3A_358 : memref<1x64xf32, #tpu.memory_space<hbm>>) target(%dma_start3A_356 : memref<1x64xf32, #tpu.memory_space<vmem>>) target_semaphore(%arg9 : memref<!tpu.dma_semaphore, #tpu.memory_space<semaphore_mem>>)
      %eq3A_359 = arith.constant 14 : i32
      %eq3A_360 = vector.broadcast %eq3A_359 : i32 to vector<16xi32>
      %eq3A_361 = arith.cmpi eq, %iota3A, %eq3A_360 : vector<16xi32>
      %jit3A_362 = arith.constant 0 : i32
      %broadcast_in_dim3A_363 = vector.broadcast %jit3A_362 : i32 to vector<16xi32>
      %select_n3A_364 = arith.select %eq3A_361, %get3A_28, %broadcast_in_dim3A_363 : vector<16xi1>, vector<16xi32>
      %reduce_max3A_365 = arith.constant true
      %reduce_max3A_366 = vector.broadcast %reduce_max3A_365 : i1 to vector<16xi1>
      %reduce_max3A_367 = arith.constant -2147483648 : i32
      %reduce_max3A_368 = vector.broadcast %reduce_max3A_367 : i32 to vector<16xi32>
      %reduce_max3A_369 = arith.xori %select_n3A_364, %reduce_max3A_368 : vector<16xi32>
      %reduce_max3A_370 = tpu.scan <max>, %reduce_max3A_369 masked %reduce_max3A_366 : vector<16xi32>, vector<16xi1> -> vector<16xi32>
      %reduce_max3A_371 = arith.xori %reduce_max3A_370, %reduce_max3A_368 : vector<16xi32>
      %reduce_max3A_372 = vector.extract %reduce_max3A_371[15] : i32 from vector<16xi32>
      %add3A_373 = arith.constant 14 : i32
      %add3A_374 = arith.addi %multiple_of3A, %add3A_373 : i32
      %dma_start3A_375 = arith.constant 0 : i32
      %dma_start3A_376 = tpu.memref_slice %arg8[%add3A_374, %dma_start3A_375] : memref<512x64xf32, #tpu.memory_space<vmem>> -> memref<1x64xf32, #tpu.memory_space<vmem>>
      %dma_start3A_377 = arith.constant 0 : i32
      %dma_start3A_378 = tpu.memref_slice %arg4[%reduce_max3A_372, %dma_start3A_377] : memref<100000x64xf32, #tpu.memory_space<hbm>> -> memref<1x64xf32, #tpu.memory_space<hbm>>
      %dma_start3A_379 = arith.constant 0 : i32
      %dma_start3A_380 = tpu.memref_slice %arg8[%add3A_374, %dma_start3A_379] : memref<512x64xf32, #tpu.memory_space<vmem>> -> memref<1x64xf32, #tpu.memory_space<vmem>>
      %dma_start3A_381 = arith.constant 0 : i32
      %dma_start3A_382 = tpu.memref_slice %arg4[%reduce_max3A_372, %dma_start3A_381] : memref<100000x64xf32, #tpu.memory_space<hbm>> -> memref<1x64xf32, #tpu.memory_space<hbm>>
      tpu.enqueue_dma source(%dma_start3A_382 : memref<1x64xf32, #tpu.memory_space<hbm>>) target(%dma_start3A_380 : memref<1x64xf32, #tpu.memory_space<vmem>>) target_semaphore(%arg9 : memref<!tpu.dma_semaphore, #tpu.memory_space<semaphore_mem>>)
      %eq3A_383 = arith.constant 15 : i32
      %eq3A_384 = vector.broadcast %eq3A_383 : i32 to vector<16xi32>
      %eq3A_385 = arith.cmpi eq, %iota3A, %eq3A_384 : vector<16xi32>
      %jit3A_386 = arith.constant 0 : i32
      %broadcast_in_dim3A_387 = vector.broadcast %jit3A_386 : i32 to vector<16xi32>
      %select_n3A_388 = arith.select %eq3A_385, %get3A_28, %broadcast_in_dim3A_387 : vector<16xi1>, vector<16xi32>
      %reduce_max3A_389 = arith.constant true
      %reduce_max3A_390 = vector.broadcast %reduce_max3A_389 : i1 to vector<16xi1>
      %reduce_max3A_391 = arith.constant -2147483648 : i32
      %reduce_max3A_392 = vector.broadcast %reduce_max3A_391 : i32 to vector<16xi32>
      %reduce_max3A_393 = arith.xori %select_n3A_388, %reduce_max3A_392 : vector<16xi32>
      %reduce_max3A_394 = tpu.scan <max>, %reduce_max3A_393 masked %reduce_max3A_390 : vector<16xi32>, vector<16xi1> -> vector<16xi32>
      %reduce_max3A_395 = arith.xori %reduce_max3A_394, %reduce_max3A_392 : vector<16xi32>
      %reduce_max3A_396 = vector.extract %reduce_max3A_395[15] : i32 from vector<16xi32>
      %add3A_397 = arith.constant 15 : i32
      %add3A_398 = arith.addi %multiple_of3A, %add3A_397 : i32
      %dma_start3A_399 = arith.constant 0 : i32
      %dma_start3A_400 = tpu.memref_slice %arg8[%add3A_398, %dma_start3A_399] : memref<512x64xf32, #tpu.memory_space<vmem>> -> memref<1x64xf32, #tpu.memory_space<vmem>>
      %dma_start3A_401 = arith.constant 0 : i32
      %dma_start3A_402 = tpu.memref_slice %arg4[%reduce_max3A_396, %dma_start3A_401] : memref<100000x64xf32, #tpu.memory_space<hbm>> -> memref<1x64xf32, #tpu.memory_space<hbm>>
      %dma_start3A_403 = arith.constant 0 : i32
      %dma_start3A_404 = tpu.memref_slice %arg8[%add3A_398, %dma_start3A_403] : memref<512x64xf32, #tpu.memory_space<vmem>> -> memref<1x64xf32, #tpu.memory_space<vmem>>
      %dma_start3A_405 = arith.constant 0 : i32
      %dma_start3A_406 = tpu.memref_slice %arg4[%reduce_max3A_396, %dma_start3A_405] : memref<100000x64xf32, #tpu.memory_space<hbm>> -> memref<1x64xf32, #tpu.memory_space<hbm>>
      tpu.enqueue_dma source(%dma_start3A_406 : memref<1x64xf32, #tpu.memory_space<hbm>>) target(%dma_start3A_404 : memref<1x64xf32, #tpu.memory_space<vmem>>) target_semaphore(%arg9 : memref<!tpu.dma_semaphore, #tpu.memory_space<semaphore_mem>>)
    }
    %scan3A_7 = arith.constant 32 : i32
    "tpu.region"() ({
      %run_scoped3A = tpu.sem_alloc : memref<!tpu.dma_semaphore, #tpu.memory_space<semaphore_mem>>
      %dma_start3A = tpu.memref_slice %arg3[%mul3A_2] : memref<16384xf32, #tpu.memory_space<hbm>> -> memref<512xf32, #tpu.memory_space<hbm>>
      %dma_start3A_25 = tpu.memref_slice %arg3[%mul3A_2] : memref<16384xf32, #tpu.memory_space<hbm>> -> memref<512xf32, #tpu.memory_space<hbm>>
      tpu.enqueue_dma source(%dma_start3A_25 : memref<512xf32, #tpu.memory_space<hbm>>) target(%arg7 : memref<512xf32, #tpu.memory_space<vmem>>) target_semaphore(%run_scoped3A : memref<!tpu.dma_semaphore, #tpu.memory_space<semaphore_mem>>)
      %dma_wait3A_26 = tpu.memref_slice %arg3[%mul3A_2] : memref<16384xf32, #tpu.memory_space<hbm>> -> memref<512xf32, #tpu.memory_space<hbm>>
      %dma_wait3A_27 = tpu.memref_slice %arg3[%mul3A_2] : memref<16384xf32, #tpu.memory_space<hbm>> -> memref<512xf32, #tpu.memory_space<hbm>>
      tpu.wait_dma2 semaphore(%run_scoped3A : memref<!tpu.dma_semaphore, #tpu.memory_space<semaphore_mem>>) src(%dma_wait3A_27 : memref<512xf32, #tpu.memory_space<hbm>>) dst(%arg7 : memref<512xf32, #tpu.memory_space<vmem>>)
      tpu.yield
    }) : () -> ()
    %dma_wait3A = arith.constant 0 : i32
    %dma_wait3A_8 = arith.constant 0 : i32
    %dma_wait3A_9 = tpu.memref_slice %arg4[%dma_wait3A, %dma_wait3A_8] : memref<100000x64xf32, #tpu.memory_space<hbm>> -> memref<512x64xf32, #tpu.memory_space<hbm>>
    %dma_wait3A_10 = arith.constant 0 : i32
    %dma_wait3A_11 = arith.constant 0 : i32
    %dma_wait3A_12 = tpu.memref_slice %arg4[%dma_wait3A_10, %dma_wait3A_11] : memref<100000x64xf32, #tpu.memory_space<hbm>> -> memref<512x64xf32, #tpu.memory_space<hbm>>
    tpu.wait_dma2 semaphore(%arg9 : memref<!tpu.dma_semaphore, #tpu.memory_space<semaphore_mem>>) src(%dma_wait3A_12 : memref<512x64xf32, #tpu.memory_space<hbm>>) dst(%arg8 : memref<512x64xf32, #tpu.memory_space<vmem>>)
    %mul3A_13 = arith.constant 0 : i32
    %mul3A_14 = vector.broadcast %mul3A_13 : i32 to vector<16xi32>
    %mul3A_15 = arith.muli %iota3A, %mul3A_14 : vector<16xi32>
    %add3A_16 = arith.constant 63 : i32
    %add3A_17 = vector.broadcast %add3A_16 : i32 to vector<16xi32>
    %add3A_18 = arith.addi %mul3A_15, %add3A_17 : vector<16xi32>
    %scan3A_19 = arith.constant 0 : i32
    %scan3A_20 = arith.constant 0 : i32
    %scan3A_21 = arith.constant 32 : i32
    %scan3A_22 = arith.addi %scan3A_20, %scan3A_21 : i32
    %scan3A_23 = arith.constant 1 : i32
    scf.for %scan3A_25 = %scan3A_20 to %scan3A_22 step %scan3A_23  : i32 {
      %mul3A_26 = arith.constant 16 : i32
      %mul3A_27 = arith.muli %scan3A_25, %mul3A_26 : i32
      %multiple_of3A = tpu.assume_multiple %mul3A_27, 16 : i32
      %get3A = arith.index_cast %multiple_of3A : i32 to index
      %get3A_28 = tpu.vector_load %arg6[%get3A] {strides = array<i32>} : memref<512xi32, #tpu.memory_space<vmem>>, vector<16xi32>,
      %get3A_29 = arith.index_cast %multiple_of3A : i32 to index
      %get3A_30 = tpu.vector_load %arg7[%get3A_29] {strides = array<i32>} : memref<512xf32, #tpu.memory_space<vmem>>, vector<16xf32>,
      %eq3A = arith.constant 1 : i32
      %eq3A_31 = vector.broadcast %eq3A : i32 to vector<16xi32>
      %eq3A_32 = arith.cmpi eq, %get3A_28, %eq3A_31 : vector<16xi32>
      %eq3A_33 = arith.constant 2 : i32
      %eq3A_34 = vector.broadcast %eq3A_33 : i32 to vector<16xi32>
      %eq3A_35 = arith.cmpi eq, %get3A_28, %eq3A_34 : vector<16xi32>
      %or3A = arith.ori %eq3A_32, %eq3A_35 : vector<16xi1>
      %add3A_36 = vector.broadcast %multiple_of3A : i32 to vector<16xi32>
      %add3A_37 = arith.addi %add3A_36, %iota3A : vector<16xi32>
      tpu.vector_store_idx %arg8[%add3A_37, %add3A_18], %get3A_30 masked %or3A : memref<512x64xf32, #tpu.memory_space<vmem>>[vector<16xi32>, vector<16xi32>], vector<16xf32>, vector<16xi1>
    }
    %scan3A_24 = arith.constant 32 : i32
    "tpu.region"() ({
      %run_scoped3A = tpu.sem_alloc : memref<!tpu.dma_semaphore, #tpu.memory_space<semaphore_mem>>
      %dma_start3A = arith.constant 0 : i32
      %dma_start3A_25 = tpu.memref_slice %arg5[%mul3A_2, %dma_start3A] : memref<16384x64xf32, #tpu.memory_space<hbm>> -> memref<512x64xf32, #tpu.memory_space<hbm>>
      %dma_start3A_26 = arith.constant 0 : i32
      %dma_start3A_27 = tpu.memref_slice %arg5[%mul3A_2, %dma_start3A_26] : memref<16384x64xf32, #tpu.memory_space<hbm>> -> memref<512x64xf32, #tpu.memory_space<hbm>>
      tpu.enqueue_dma source(%arg8 : memref<512x64xf32, #tpu.memory_space<vmem>>) target(%dma_start3A_27 : memref<512x64xf32, #tpu.memory_space<hbm>>) target_semaphore(%run_scoped3A : memref<!tpu.dma_semaphore, #tpu.memory_space<semaphore_mem>>)
      %dma_wait3A_28 = arith.constant 0 : i32
      %dma_wait3A_29 = tpu.memref_slice %arg5[%mul3A_2, %dma_wait3A_28] : memref<16384x64xf32, #tpu.memory_space<hbm>> -> memref<512x64xf32, #tpu.memory_space<hbm>>
      %dma_wait3A_30 = arith.constant 0 : i32
      %dma_wait3A_31 = tpu.memref_slice %arg5[%mul3A_2, %dma_wait3A_30] : memref<16384x64xf32, #tpu.memory_space<hbm>> -> memref<512x64xf32, #tpu.memory_space<hbm>>
      tpu.wait_dma2 semaphore(%run_scoped3A : memref<!tpu.dma_semaphore, #tpu.memory_space<semaphore_mem>>) src(%arg8 : memref<512x64xf32, #tpu.memory_space<vmem>>) dst(%dma_wait3A_31 : memref<512x64xf32, #tpu.memory_space<hbm>>)
      tpu.yield
    }) : () -> ()
    return
  }
}

</mosaic_0001>

<sc_bundles>
// kernel: kernel.3.cloned.1.call-start
scs
__scs_entry_jumppad:
0x0: {  	(pc) =	sbr.rel $0x88, $3  }
0x1: {  	(tag) =	ssettag $0x0;
	lr =	simm.s32 $0x1  }
0x2: {  	[smem:$0x3F9E] =	sst lr;
	_ =	strace $0xD0000000  }
0x3: {  	_ = 	snop  }
0x4: {  	_ = 	snop  }
0x5: {  	_ = 	snop  }
0x6: {  	_ = 	snop  }
0x7: {  	_ = 	snop  }
__scs_overlays_trampoline_lowered:
0x8: {  	[smem:$0x3FAD] =	sst s0  }
0x9: {  	[smem:$0x3FAE] =	sst s1  }
0xa: {  	[smem:$0x3FAF] =	sst s2  }
0xb: {  	[smem:$0x3FB0] =	sst s3  }
0xc: {  	[smem:$0x3FB1] =	sst s4  }
0xd: {  	[smem:$0x3FB2] =	sst s5  }
0xe: {  	[smem:$0x3FB3] =	sst s6  }
0xf: {  	[smem:$0x3FB4] =	sst s7  }
0x10: {  	[smem:$0x3FB5] =	sst s8  }
0x11: {  	[smem:$0x3FB6] =	sst s9;
	s0 =	simm.s32 @!p0 $0x0  }
0x12: {  	s1 =	sld [smem:$0x3F9C];
	s0 =	simm.s32 @p0 $0x1  }
0x13: {  	[smem:$0x3FB7] =	sst s0;
	s0 =	simm.s32 @!p1 $0x0  }
0x14: {  	s2 =	sld [smem:$0x3F9B];
	s0 =	simm.s32 @p1 $0x1  }
0x15: {  	[smem:$0x3FB8] =	sst s0;
	s0 =	simm.s32 @!p2 $0x0  }
0x16: {  	s3 =	sld [smem:$0x3FDB];
	s0 =	simm.s32 @p2 $0x1  }
0x17: {  	s4 =	simm.s32 $0x1BF5;
	[smem:$0x3FBA] =	sst s0  }
0x18: {  	s0 =	sld [smem:$0x3F9D];
	_ =	swait.ge [sflag:s4], $0x0  }
0x19: {  	s7 =	sld [smem:$0x3F9E]  }
0x1a: {  	s8 =	sadd.s32 $0xFFFFE003, lr  }
0x1b: {  	s9 =	sadd.s32 $0xFFFFFEF7, lr;
	s5 =	simm.s32 $0xFFFFFFFF;
	p2 =	slt.u32 s8, $0xFFFFF086  }
0x1c: {  	p1 =	slt.u32 s9, $0xF7A;
	s5 =	simm.s32 @!p2 $0x0  }
0x1d: {  	s5 =	simm.s32 @p1 $0x1;
	p0 =	seq.s32 s7, s2  }
0x1e: {  	s7 =	smul.u32 @!p0 $0xF7A, s2;
	p2 =	seq.s32 @!p0 s5, $0x0  }
0x1f: {  	s9 =	smul.u32 $0xF7A, s1;
	s8 =	simm.s32 @!p0 $0x1BF5;
	p2 =	por !p2, p0  }
0x20: {  	[sflag:s8] =	ssyncset.s32 @!p0 $0xFFFFF086;
	s6 =	sadd.s32 @!p0 s3, s7;
	s7 =	simm.s32 @!p0 $0x108  }
0x21: {  	s3 =	sadd.s32 s3, s9;
	s6 =	sadd.s32 @!p0 $0x88, s6;
	s7 =	simm.s32 @p2 $0x1082  }
0x22: {  	[simem:s7], [sflag:s8] =	dma.local @!p0 [hbm:s6], $0xF7A  }
0x23: {  	s9 =	sor.u32 $0xD0000000, s2;
	s6 =	simm.s32 $0x108;
	_ =	swait.ge @!p0 [sflag:s8], $0x0  }
0x24: {  	s3 =	sadd.s32 $0x88, s3;
	s6 =	simm.s32 @!p1 $0x1082;
	[sflag:s4] =	ssyncset.s32 $0xFFFFF086  }
0x25: {  	[simem:s6], [sflag:s4] =	dma.local [hbm:s3], $0xF7A  }
0x26: {  	[smem:$0x3F9E] =	sst s1;
	(tag) =	ssettag s2;
	_ =	strace s9  }
0x27: {  	s1 =	sld [smem:$0x3FAE]  }
0x28: {  	s2 =	sld [smem:$0x3FAF]  }
0x29: {  	s4 =	sld [smem:$0x3FB1]  }
0x2a: {  	p0 =	seq.s32 s5, $0x0;
	s5 =	sld [smem:$0x3FB2]  }
0x2b: {  	s6 =	sld [smem:$0x3FB3]  }
0x2c: {  	s7 =	sld [smem:$0x3FB4]  }
0x2d: {  	s3 =	simm.s32 $0x108;
	s8 =	sld [smem:$0x3FB5]  }
0x2e: {  	s3 =	simm.s32 @!p0 $0x1082;
	s9 =	sld [smem:$0x3FB6]  }
0x2f: {  	lr =	sadd.s32 s0, s3;
	s0 =	sld [smem:$0x3FAD]  }
0x30: {  	s3 =	sld [smem:$0x3FB0]  }
0x31: {  	[smem:$0x3FB9] =	sst s10  }
0x32: {  	s10 =	sld [smem:$0x3FB7];
	_ =	sdelay $0x3  }
0x33: {  	p0 =	seq.s32 s10, $0x1;
	s10 =	sld [smem:$0x3FB9];
	_ =	sdelay $0x3  }
0x34: {  	[smem:$0x3FB9] =	sst s10  }
0x35: {  	s10 =	sld [smem:$0x3FB8];
	_ =	sdelay $0x3  }
0x36: {  	p1 =	seq.s32 s10, $0x1;
	s10 =	sld [smem:$0x3FB9];
	_ =	sdelay $0x3  }
0x37: {  	[smem:$0x3FB9] =	sst s10  }
0x38: {  	s10 =	sld [smem:$0x3FBA]  }
0x39: {  	_ = 	snop;
	(pc) =	sbr.ind lr, $3  }
0x3a: {  	_ = 	snop  }
0x3b: {  	_ = 	snop  }
0x3c: {  	p2 =	seq.s32 s10, $0x1;
	s10 =	sld [smem:$0x3FB9]  }
0x3d: {  	_ =	shalt  }
0x3e: {  	_ =	shalt  }
0x3f: {  	_ =	shalt  }
0x40: {  	_ =	shalt  }
0x41: {  	_ =	shalt  }
0x42: {  	_ =	shalt  }
0x43: {  	_ =	shalt  }
0x44: {  	_ =	shalt  }
0x45: {  	_ =	shalt  }
0x46: {  	_ =	shalt  }
0x47: {  	_ =	shalt  }
0x48: {  	_ =	shalt  }
0x49: {  	_ =	shalt  }
0x4a: {  	_ =	shalt  }
0x4b: {  	_ =	shalt  }
0x4c: {  	_ =	shalt  }
0x4d: {  	_ =	shalt  }
0x4e: {  	_ =	shalt  }
0x4f: {  	_ =	shalt  }
0x50: {  	_ =	shalt  }
0x51: {  	_ =	shalt  }
0x52: {  	_ =	shalt  }
0x53: {  	_ =	shalt  }
0x54: {  	_ =	shalt  }
0x55: {  	_ =	shalt  }
0x56: {  	_ =	shalt  }
0x57: {  	_ =	shalt  }
0x58: {  	_ =	shalt  }
0x59: {  	_ =	shalt  }
0x5a: {  	_ =	shalt  }
0x5b: {  	_ =	shalt  }
0x5c: {  	_ =	shalt  }
0x5d: {  	_ =	shalt  }
0x5e: {  	_ =	shalt  }
0x5f: {  	_ =	shalt  }
0x60: {  	_ =	shalt  }
0x61: {  	_ =	shalt  }
0x62: {  	_ =	shalt  }
0x63: {  	_ =	shalt  }
0x64: {  	_ =	shalt  }
0x65: {  	_ =	shalt  }
0x66: {  	_ =	shalt  }
0x67: {  	_ =	shalt  }
0x68: {  	_ =	shalt  }
0x69: {  	_ =	shalt  }
0x6a: {  	_ =	shalt  }
0x6b: {  	_ =	shalt  }
0x6c: {  	_ =	shalt  }
0x6d: {  	_ =	shalt  }
0x6e: {  	_ =	shalt  }
0x6f: {  	_ =	shalt  }
0x70: {  	_ =	shalt  }
0x71: {  	_ =	shalt  }
0x72: {  	_ =	shalt  }
0x73: {  	_ =	shalt  }
0x74: {  	_ =	shalt  }
0x75: {  	_ =	shalt  }
0x76: {  	_ =	shalt  }
0x77: {  	_ =	shalt  }
0x78: {  	_ =	shalt  }
0x79: {  	_ =	shalt  }
0x7a: {  	_ =	shalt  }
0x7b: {  	_ =	shalt  }
0x7c: {  	_ =	shalt  }
0x7d: {  	_ =	shalt  }
0x7e: {  	_ =	shalt  }
0x7f: {  	_ =	shalt  }
0x80: {  	_ =	shalt  }
0x81: {  	_ =	shalt  }
0x82: {  	_ =	shalt  }
0x83: {  	_ =	shalt  }
0x84: {  	_ =	shalt  }
0x85: {  	_ =	shalt  }
0x86: {  	_ =	shalt  }
0x87: {  	_ =	shalt  }
.Lfunc_end0:
.L_simem_size_0:
called_computation_lowered:
.L_overlay_start_0:
0x88: {  	s2 =	sld [smem:$0x3FD9]  }
0x89: {  	s3 =	sld [smem:$0x3FFE];
	_ =	sdelay $0x1  }
0x8a: {  	s1 =	srdreg.scid  }
0x8b: {  	s0 =	sand.u32 $0x1, s1  }
0x8c: {  	s17 =	sshll.u32 s0, $0xA;
	s2 =	sadd.s32 s3, s2  }
0x8d: {  	s2 =	sadd.s32 s2, s17  }
0x8e: {  	[smem:$0x3FC5] =	sst s2  }
0x8f: {  	_ = 	snop  }
0x90: {  	s2 =	sld [smem:$0x3FC9]  }
0x91: {  	s18 =	sld [smem:$0x3FC8];
	(tm) =	ssettm $0x1  }
0x92: {  	s4 =	sld [smem:$0x3FFB];
	_ =	sdelay $0x3  }
0x93: {  	_ =	strace s4  }
0x94: {  	s4 =	sld [smem:$0x3FFC];
	_ =	sdelay $0x3  }
0x95: {  	_ =	strace s4  }
0x96: {  	s4 =	sld [smem:$0x3FFD];
	_ =	sdelay $0x3  }
0x97: {  	_ =	strace s4  }
0x98: {  	_ =	strace $0x8FFFFFFF  }
0x99: {  	s19 =	sld [smem:$0x3FDB];
	_ =	sdelay $0x1  }
0x9a: {  	s5 =	simm.s32 $_scs_section_size  }
0x9b: {  	s6 =	simm.s32 $_size__tile_overlayer_lowered;
	s7 =	simm.s32 $_tile_overlayer_lowered  }
0x9c: {  	s22 =	simm.s32 $0x1BFF;
	s21 =	sshll.u32 s7, $0x1;
	s4 =	sadd.s32 s5, s19  }
0x9d: {  	s8 =	simm.s32 $0x0;
	s20 =	sshll.u32 s6, $0x1;
	s6 =	sadd.s32 s21, s4  }
0x9e: {  	[timem:s8], [sflag:s22] =	dma.local [hbm:s6], s20  }
0x9f: {  	_ =	swait.ge [sflag:s22], s20  }
0xa0: {  	s5 =	ssub.s32 $0x0, s20;
	[sflag:s22] =	ssyncset.done $0x0  }
0xa1: {  	[sflag:s22] =	ssyncadd.s32 s5;
	_ =	sdelay $0x1  }
0xa2: {  	s23 =	simm.s32 $0x1B8B  }
0xa3: {  	_ =	swait.ge [sflag:s23], $0x1  }
0xa4: {  	[sflag:s23] =	ssyncset.done $0x0  }
0xa5: {  	s25 =	simm.s32 $0x1B8E;
	s24 =	sld [smem:$0x3FFE];
	[sflag:s23] =	ssyncadd.s32 $0xFFFFFFFF  }
0xa6: {  	s26 =	simm.s32 $execute0_lowered;
	[smem:$0x3FD2] =	sst s25  }
0xa7: {  	s6 =	sshll.u32 s26, $0x1;
	_ =	strace $0x80000046;
	[dreg:$0x1] =	wrdreg $0xFFFFFFFF  }
0xa8: {  	s28 =	simm.s32 $_size_execute0_lowered;
	s4 =	sadd.s32 s4, s6;
	[dreg:$0x0] =	wrdreg $0x0  }
0xa9: {  	s6 =	sshll.u32 s28, $0x1;
	[dreg:$0x2] =	wrdreg s4  }
0xaa: {  	[dreg:$0x3] =	wrdreg s6  }
0xab: {  	[dreg:$0x4] =	wrdreg $0xC0  }
0xac: {  	_ =	task [dreg:s8], $0x5FFFF  }
0xad: {  	[dreg:$0x1] =	wrdreg $0xFFFFFFFF  }
0xae: {  	[dreg:$0x0] =	wrdreg $0x60  }
0xaf: {  	[dreg:$0x2] =	wrdreg s2  }
0xb0: {  	[dreg:$0x3] =	wrdreg s18  }
0xb1: {  	[dreg:$0x4] =	wrdreg s24  }
0xb2: {  	[dreg:$0x5] =	wrdreg $0x9  }
0xb3: {  	_ =	task.clear_ibuf [dreg:s8], $0x6FFFF;
	_ =	strace $0x90000046  }
0xb4: {  	s29 =	simm.s32 $0x9;
	_ =	strace $0x80000048  }
0xb5: {  	_ =	swait.ge [sflag:s29], $0x1  }
0xb6: {  	[sflag:s29] =	ssyncadd.s32 $0xFFFFFFFF  }
0xb7: {  	_ =	strace $0x90000048  }
0xb8: {  	_ =	sfence  }
0xb9: {  	s30 =	sld [smem:$0x0];
	_ =	sdelay $0x2  }
0xba: {  	s31 =	sshll.u32 s1, $0xD;
	s1 =	sshrl.u32 s1, $0x2  }
0xbb: {  	s3 =	sand.u32 $0x4000, s31;
	s1 =	sadd.s32 s1, s30  }
0xbc: {  	s0 =	sor.u32 s3, s0;
	s1 =	sshll.u32 s1, $0x11  }
0xbd: {  	s0 =	sor.u32 s1, s0  }
0xbe: {  	s0 =	sadd.s32 $0x8F2B, s0  }
0xbf: {  	[sflag:s0] =	ssyncadd.remote.s32 $0x1  }
0xc0: {  	_ =	sfence.sel $0xFFFF  }
0xc1: {  	[dreg:$0x0] =	wrdreg $0xFFFFFFFF;
	(pc) =	sbr.abs _section_cstart, $3  }
0xc2: {  	[dreg:$0x1] =	wrdreg $0xFFFFFFFF  }
0xc3: {  	_ =	task.clear_ibuf [dreg:s8], $0x2FFFF;
	_ =	strace $0x9FFFFFFF  }
0xc4: {  	(tm) =	ssettm $0x7FFFFFFF  }
0xc5: {  	_ =	shalt  }
tec
execute0_lowered:
.L_overlay_start_1:
0x0: {  	(tag) =	ssettag $0x1  }
0x1: {  	s0 =	rddreg [dreg:$0x0]  }
0x2: {  	s1 =	rddreg [dreg:$0x1]  }
0x3: {  	s4 =	rddreg [dreg:$0x2];
	s3 =	srdreg.scid;
	s2 =	simm.s32 $0x0  }
0x4: {  	s6 =	stileid.u32;
	s8 =	simm.s32 $0x2;
	s9 =	simm.s32 $0x1  }
0x5: {  	s10 =	simm.s32 $0x400;
	s11 =	simm.s32 $0x0;
	s5 =	sand.u32 $0x1, s3  }
0x6: {  	vm0 =	vmmov $0x1;
	vm1 =	vcmask $0x308;
	vm2 =	vcmask $0x70C;
	[smem:$0x7FF] =	sst s2;
	s28 =	sshll.u32 s6, $0xA;
	s29 =	sshll.u32 s5, $0x9  }
0x7: {  	vm3 =	vcmask $0xB10;
	vm4 =	vcmask $0xF14;
	vm5 =	vcmask $0x1318;
	s3 =	sadd.s32 $0x400, s4;
	_ =	strace $0x80000047;
	s6 =	sor.u32 s29, s28  }
0x8: {  	vm6 =	vcmask $0x171C;
	vm7 =	vcmask $0x1B20;
	vm8 =	vcmask $0x1F24;
	s5 =	ssub.s32 $0x2, s5;
	s7 =	sshll.u32 s6, $0x4;
	s6 =	sshrl.u32 s6, $0x3  }
0x9: {  	vm9 =	vcmask $0x2328;
	vm10 =	vcmask $0x272C;
	vm11 =	vcmask $0x2B30;
	s30 =	sshrl.u32 s5, $0x1;
	s4 =	sadd.s32 s7, s4;
	s0 =	sadd.s32 s0, s6  }
0xa: {  	vm12 =	vcmask $0x2F34;
	vm13 =	vcmask $0x3338;
	v0 =	vlaneseq.u32;
	s7 =	ssub.s32 s5, s30;
	s31 =	sadd.s32 s1, s6;
	[dreg:$0x4] =	wrdreg s0  }
0xb: {  	vm14 =	vcmask $0x373C;
	vm15 =	vmmov $0x7fff;
	v0 =	vmul.u32 $0x80, v0;
	[dreg:$0x5] =	wrdreg s31;
	s6 =	sadd.s32 $0x186E00, s4;
	s7 =	smax.u32 s7, $0x1  }
.LBB2_1:
0xc: {  	s0 =	rddreg [dreg:$0x4]  }
0xd: {  	[tilespmem:s2], [sflag:$0x2] =	stream.linear.gather [hbm4b:s0+s2], $0x200, $0x38;
	[tilespmem:$0x10400] =	vst v63  }
0xe: {  	_ =	swait.ge [sflag:s8], $0x200  }
0xf: {  	[sflag:s8] =	ssyncset.done $0x0  }
0x10: {  	[sflag:s8] =	ssyncadd.s32 $0xFFFFFE00  }
0x11: {  	v1 =	vld [tilespmem:s2+$0x0];
	_ =	sdelay $0x4  }
0x12: {  	v2 =	vsel vm3, $0x0, v1  }
0x13: {  	v3 =	vnsel vm0, $0x0, v1;
	v2 =	vxor.u32 $0x80000000, v2  }
0x14: {  	v3 =	vxor.u32 $0x80000000, v3;
	(xrf0) =	vmax.scan.msk.u32 $0xffff, v2;
	v2 =	vsel vm7, $0x0, v1  }
0x15: {  	(xrf0) =	vmax.scan.msk.u32 $0xffff, v3;
	v3 =	vsel vm1, $0x0, v1;
	v2 =	vxor.u32 $0x80000000, v2  }
0x16: {  	v3 =	vxor.u32 $0x80000000, v3;
	(xrf0) =	vmax.scan.msk.u32 $0xffff, v2;
	v2 =	vsel vm6, $0x0, v1  }
0x17: {  	(xrf0) =	vmax.scan.msk.u32 $0xffff, v3;
	v3 =	vsel vm2, $0x0, v1;
	v2 =	vxor.u32 $0x80000000, v2  }
0x18: {  	v3 =	vxor.u32 $0x80000000, v3;
	_ =	sdelay $0x1  }
0x19: {  	(xrf0) =	vmax.scan.msk.u32 $0xffff, v2;
	v2, _, _ =	vpop (xrf0)  }
0x1a: {  	(xrf0) =	vmax.scan.msk.u32 $0xffff, v3;
	v3, _, _ =	vpop (xrf0);
	(v2sf) =	vpush v2, $0xF  }
0x1b: {  	(v2sf) =	vpush v3, $0xF;
	v2, _, _ =	vpop (xrf0)  }
0x1c: {  	(v2sf) =	vpush v2, $0xF;
	_ =	sdelay $0x2  }
0x1d: {  	v2 =	vsel vm4, $0x0, v1  }
0x1e: {  	v3, _, _ =	vpop (xrf0);
	v2 =	vxor.u32 $0x80000000, v2  }
0x1f: {  	v4 =	vsel vm5, $0x0, v1;
	(v2sf) =	vpush v3, $0xF;
	v3, _, _ =	vpop (xrf0);
	(xrf0) =	vmax.scan.msk.u32 $0xffff, v2  }
0x20: {  	(v2sf) =	vpush v3, $0xF;
	v3 =	vxor.u32 $0x80000000, v4;
	v4 =	vsel vm8, $0x0, v1  }
0x21: {  	v2 =	vsel vm9, $0x0, v1;
	v4 =	vxor.u32 $0x80000000, v4;
	(xrf0) =	vmax.scan.msk.u32 $0xffff, v3  }
0x22: {  	v2 =	vxor.u32 $0x80000000, v2;
	v3 =	vsel vm10, $0x0, v1;
	(xrf0) =	vmax.scan.msk.u32 $0xffff, v4  }
0x23: {  	v5, _, _ =	vpop (xrf0);
	v3 =	vxor.u32 $0x80000000, v3;
	v4 =	vsel vm11, $0x0, v1;
	(xrf0) =	vmax.scan.msk.u32 $0xffff, v2  }
0x24: {  	(v2sf) =	vpush v5, $0xF;
	v4 =	vxor.u32 $0x80000000, v4;
	(xrf0) =	vmax.scan.msk.u32 $0xffff, v3  }
0x25: {  	(xrf0) =	vmax.scan.msk.u32 $0xffff, v4;
	v4 =	vsel vm14, $0x0, v1;
	v5, _, _ =	vpop (xrf0)  }
0x26: {  	v2 =	vsel vm12, $0x0, v1;
	(v2sf) =	vpush v5, $0xF  }
0x27: {  	v2 =	vxor.u32 $0x80000000, v2;
	s1 =	spop (v2sf)  }
0x28: {  	(xrf0) =	vmax.scan.msk.u32 $0xffff, v2;
	v2 =	vxor.u32 $0x80000000, v4;
	v4, _, _ =	vpop (xrf0);
	s4 =	spop (v2sf)  }
0x29: {  	s13 =	simm.s32 $0x2000;
	s12 =	simm.s32 $0x0;
	v3 =	vsel vm13, $0x0, v1;
	s29 =	spop (v2sf);
	(v2sf) =	vpush v4, $0xF  }
0x2a: {  	s18 =	simm.s32 $0x500;
	s15 =	simm.s32 $0x600;
	s22 =	simm.s32 $0x480;
	v3 =	vxor.u32 $0x80000000, v3  }
0x2b: {  	s16 =	simm.s32 $0x680;
	s19 =	simm.s32 $0x700;
	s24 =	simm.s32 $0x580;
	v1 =	vsel vm15, $0x0, v1;
	(xrf0) =	vmax.scan.msk.u32 $0xffff, v3  }
0x2c: {  	s17 =	simm.s32 $0xA80;
	s14 =	simm.s32 $0x10;
	s23 =	simm.s32 $0x900;
	v1 =	vxor.u32 $0x80000000, v1;
	v6, _, _ =	vpop (xrf0);
	(xrf0) =	vmax.scan.msk.u32 $0xffff, v2  }
0x2d: {  	s21 =	simm.s32 $0x980;
	s20 =	simm.s32 $0xA00;
	s26 =	simm.s32 $0x800;
	v7, _, _ =	vpop (xrf0);
	(xrf0) =	vmax.scan.msk.u32 $0xffff, v1;
	(v2sf) =	vpush v6, $0xF  }
0x2e: {  	s25 =	simm.s32 $0x880;
	s28 =	simm.s32 $0x780;
	v8, _, _ =	vpop (xrf0);
	s1 =	sshll.u32 s1, $0x4  }
0x2f: {  	s0 =	simm.s32 $0x400;
	v5, _, _ =	vpop (xrf0);
	s4 =	sshll.u32 s4, $0x4;
	s30 =	sand.u32 $0x1FFFFFF0, s1;
	(v2sf) =	vpush v7, $0xF  }
0x30: {  	v4, _, _ =	vpop (xrf0);
	s4 =	sand.u32 $0x1FFFFFF0, s4;
	s5 =	spop (v2sf);
	s31 =	sshll.u32 s29, $0x4  }
0x31: {  	v3, _, _ =	vpop (xrf0);
	s4 =	sadd.s32 s3, s4;
	s5 =	sshll.u32 s5, $0x4;
	s29 =	spop (v2sf)  }
0x32: {  	v2, _, _ =	vpop (xrf0);
	[tilespmem:s0], [sflag:$0x1] =	stream.linear.gather [hbm4b:s4+s2], $0x80, $0x38;
	[tilespmem:$0x10400] =	vst v63  }
0x33: {  	v1, _, _ =	vpop (xrf0);
	s1 =	sand.u32 $0x1FFFFFF0, s5;
	s0 =	sshll.u32 s29, $0x4;
	s4 =	spop (v2sf);
	(v2sf) =	vpush v8, $0xF  }
.LBB2_2:
0x34: {  	s1 =	sadd.s32 s3, s1  }
0x35: {  	s4 =	sshll.u32 s4, $0x4;
	s5 =	spop (v2sf);
	(v2sf) =	vpush v5, $0xF;
	s29 =	smov.u32 s13  }
0x36: {  	[tilespmem:s22], [sflag:$0x1] =	stream.linear.gather [hbm4b:s1+s2], $0x80, $0x38;
	[tilespmem:$0x10400] =	vst v63  }
0x37: {  	s0 =	sand.u32 $0x1FFFFFF0, s0;
	s1 =	sand.u32 $0x1FFFFFF0, s4;
	s4 =	sshll.u32 s5, $0x4  }
0x38: {  	s1 =	sadd.s32 s3, s1;
	s4 =	sand.u32 $0x1FFFFFF0, s4;
	s5 =	spop (v2sf)  }
0x39: {  	[tilespmem:s18], [sflag:$0x1] =	stream.linear.gather [hbm4b:s1+s2], $0x80, $0x38;
	(v2sf) =	vpush v4, $0xF;
	[tilespmem:$0x10400] =	vst v63  }
0x3a: {  	s1 =	sadd.s32 s3, s30;
	s5 =	sshll.u32 s5, $0x4;
	s18 =	sand.u32 $0x1FFFFFF0, s31  }
0x3b: {  	[tilespmem:s24], [sflag:$0x1] =	stream.linear.gather [hbm4b:s1+s2], $0x80, $0x38;
	(v2sf) =	vpush v3, $0xF;
	[tilespmem:$0x10400] =	vst v63  }
0x3c: {  	s1 =	sadd.s32 s3, s4;
	s4 =	sand.u32 $0x1FFFFFF0, s5;
	s5 =	spop (v2sf)  }
0x3d: {  	[tilespmem:s15], [sflag:$0x1] =	stream.linear.gather [hbm4b:s1+s2], $0x80, $0x38;
	(v2sf) =	vpush v2, $0xF;
	[tilespmem:$0x10400] =	vst v63  }
0x3e: {  	s1 =	sadd.s32 s3, s4;
	s4 =	sshll.u32 s5, $0x4;
	s5 =	spop (v2sf)  }
0x3f: {  	[tilespmem:s16], [sflag:$0x1] =	stream.linear.gather [hbm4b:s1+s2], $0x80, $0x38;
	[tilespmem:$0x10400] =	vst v63  }
0x40: {  	s0 =	sadd.s32 s3, s0;
	s1 =	sand.u32 $0x1FFFFFF0, s4;
	s4 =	sshll.u32 s5, $0x4;
	(v2sf) =	vpush v1, $0xF  }
0x41: {  	[tilespmem:s19], [sflag:$0x1] =	stream.linear.gather [hbm4b:s0+s2], $0x80, $0x38;
	[tilespmem:$0x10400] =	vst v63  }
0x42: {  	s4 =	sand.u32 $0x1FFFFFF0, s4;
	s0 =	sadd.s32 s3, s18;
	s5 =	spop (v2sf)  }
0x43: {  	[tilespmem:s28], [sflag:$0x1] =	stream.linear.gather [hbm4b:s0+s2], $0x80, $0x38;
	[tilespmem:$0x10400] =	vst v63  }
0x44: {  	s0 =	sadd.s32 s3, s1;
	s1 =	sshll.u32 s5, $0x4;
	s5 =	spop (v2sf)  }
0x45: {  	[tilespmem:s26], [sflag:$0x1] =	stream.linear.gather [hbm4b:s0+s2], $0x80, $0x38;
	[tilespmem:$0x10400] =	vst v63  }
0x46: {  	s1 =	sand.u32 $0x1FFFFFF0, s1;
	s0 =	sadd.s32 s3, s4;
	s4 =	sshll.u32 s5, $0x4  }
0x47: {  	[tilespmem:s25], [sflag:$0x1] =	stream.linear.gather [hbm4b:s0+s2], $0x80, $0x38;
	[tilespmem:$0x10400] =	vst v63  }
0x48: {  	s0 =	sadd.s32 s3, s1;
	s1 =	sand.u32 $0x1FFFFFF0, s4;
	s4 =	spop (v2sf)  }
0x49: {  	[tilespmem:s23], [sflag:$0x1] =	stream.linear.gather [hbm4b:s0+s2], $0x80, $0x38;
	[tilespmem:$0x10400] =	vst v63  }
0x4a: {  	s0 =	sadd.s32 s3, s1;
	s1 =	sshll.u32 s4, $0x4;
	s4 =	spop (v2sf)  }
0x4b: {  	[tilespmem:s21], [sflag:$0x1] =	stream.linear.gather [hbm4b:s0+s2], $0x80, $0x38;
	[tilespmem:$0x10400] =	vst v63  }
0x4c: {  	s0 =	sand.u32 $0x1FFFFFF0, s1;
	s1 =	sshll.u32 s4, $0x4;
	s4 =	spop (v2sf)  }
0x4d: {  	s0 =	sadd.s32 s3, s0;
	s1 =	sand.u32 $0x1FFFFFF0, s1;
	s4 =	sshll.u32 s4, $0x4  }
0x4e: {  	[tilespmem:s20], [sflag:$0x1] =	stream.linear.gather [hbm4b:s0+s2], $0x80, $0x38;
	[tilespmem:$0x10400] =	vst v63  }
0x4f: {  	s0 =	sadd.s32 s3, s1;
	s1 =	sand.u32 $0x1FFFFFF0, s4;
	s4 =	spop (v2sf)  }
0x50: {  	[tilespmem:s17], [sflag:$0x1] =	stream.linear.gather [hbm4b:s0+s2], $0x80, $0x38;
	[tilespmem:$0x10400] =	vst v63  }
0x51: {  	s1 =	sadd.s32 s3, s1;
	s0 =	sadd.s32 $0xB00, s12;
	s4 =	sshll.u32 s4, $0x4  }
0x52: {  	[tilespmem:s0], [sflag:$0x1] =	stream.linear.gather [hbm4b:s1+s2], $0x80, $0x38;
	[tilespmem:$0x10400] =	vst v63  }
0x53: {  	p0 =	sne.s32 s13, $0x3E000;
	s13 =	sadd.s32 $0x2000, s13;
	s0 =	sand.u32 $0x1FFFFFF0, s4  }
0x54: {  	s1 =	sadd.s32 $0xB80, s12;
	s0 =	sadd.s32 s3, s0  }
0x55: {  	[tilespmem:s1], [sflag:$0x1] =	stream.linear.gather [hbm4b:s0+s2], $0x80, $0x38;
	[tilespmem:$0x10400] =	vst v63  }
0x56: {  	_ = 	snop  }
0x57: {  	v1 =	vld [tilespmem:s14+$0x0];
	_ =	sdelay $0x2  }
0x58: {  	s12 =	sshra.s32 s29, $0x2  }
0x59: {  	s18 =	sadd.s32 $0x500, s12  }
0x5a: {  	s15 =	sadd.s32 $0x600, s12;
	v2 =	vnsel vm0, $0x0, v1;
	v3 =	vsel vm3, $0x0, v1;
	v4 =	vsel vm14, $0x0, v1  }
0x5b: {  	s29 =	sadd.s32 $0x400, s12;
	s22 =	sadd.s32 $0x480, s12;
	v5 =	vsel vm6, $0x0, v1;
	v6 =	vsel vm13, $0x0, v1;
	v3 =	vxor.u32 $0x80000000, v3  }
0x5c: {  	v7 =	vsel vm7, $0x0, v1;
	v2 =	vxor.u32 $0x80000000, v2;
	v4 =	vxor.u32 $0x80000000, v4;
	(xrf0) =	vmax.scan.msk.u32 $0xffff, v3  }
0x5d: {  	s16 =	sadd.s32 $0x680, s12;
	v8 =	vsel vm2, $0x0, v1;
	v7 =	vxor.u32 $0x80000000, v7;
	v3 =	vsel vm1, $0x0, v1;
	(xrf0) =	vmax.scan.msk.u32 $0xffff, v2  }
0x5e: {  	v9 =	vsel vm5, $0x0, v1;
	v2 =	vxor.u32 $0x80000000, v3;
	v3 =	vsel vm4, $0x0, v1;
	(xrf0) =	vmax.scan.msk.u32 $0xffff, v7  }
0x5f: {  	v5 =	vxor.u32 $0x80000000, v5;
	v3 =	vxor.u32 $0x80000000, v3;
	v7 =	vxor.u32 $0x80000000, v9;
	(xrf0) =	vmax.scan.msk.u32 $0xffff, v2  }
0x60: {  	v9 =	vsel vm9, $0x0, v1;
	v2 =	vxor.u32 $0x80000000, v8;
	v8 =	vsel vm8, $0x0, v1;
	(xrf0) =	vmax.scan.msk.u32 $0xffff, v5  }
0x61: {  	v5 =	vxor.u32 $0x80000000, v8;
	v8 =	vxor.u32 $0x80000000, v9;
	v9 =	vsel vm10, $0x0, v1;
	(xrf0) =	vmax.scan.msk.u32 $0xffff, v2  }
0x62: {  	s19 =	sadd.s32 $0x700, s12;
	v12 =	vsel vm12, $0x0, v1;
	v2 =	vxor.u32 $0x80000000, v9;
	v9 =	vsel vm11, $0x0, v1;
	v11, _, _ =	vpop (xrf0);
	(xrf0) =	vmax.scan.msk.u32 $0xffff, v3  }
0x63: {  	s24 =	sadd.s32 $0x580, s12;
	v3 =	vxor.u32 $0x80000000, v9;
	v9 =	vxor.u32 $0x80000000, v12;
	v10, _, _ =	vpop (xrf0);
	(v2sf) =	vpush v11, $0xF;
	(xrf0) =	vmax.scan.msk.u32 $0xffff, v7  }
0x64: {  	v6 =	vxor.u32 $0x80000000, v6;
	v1 =	vsel vm15, $0x0, v1;
	(v2sf) =	vpush v10, $0xF;
	v7, _, _ =	vpop (xrf0);
	(xrf0) =	vmax.scan.msk.u32 $0xffff, v5  }
0x65: {  	v1 =	vxor.u32 $0x80000000, v1;
	v5, _, _ =	vpop (xrf0);
	(v2sf) =	vpush v7, $0xF;
	(xrf0) =	vmax.scan.msk.u32 $0xffff, v8  }
0x66: {  	(v2sf) =	vpush v5, $0xF;
	v5, _, _ =	vpop (xrf0);
	(xrf0) =	vmax.scan.msk.u32 $0xffff, v2  }
0x67: {  	v2, _, _ =	vpop (xrf0);
	(v2sf) =	vpush v5, $0xF;
	(xrf0) =	vmax.scan.msk.u32 $0xffff, v3  }
0x68: {  	(v2sf) =	vpush v2, $0xF;
	v2, _, _ =	vpop (xrf0);
	(xrf0) =	vmax.scan.msk.u32 $0xffff, v9  }
0x69: {  	v3, _, _ =	vpop (xrf0);
	(xrf0) =	vmax.scan.msk.u32 $0xffff, v6  }
0x6a: {  	(v2sf) =	vpush v2, $0xF;
	v6, _, _ =	vpop (xrf0);
	(xrf0) =	vmax.scan.msk.u32 $0xffff, v4  }
0x6b: {  	v7, _, _ =	vpop (xrf0);
	(xrf0) =	vmax.scan.msk.u32 $0xffff, v1  }
0x6c: {  	v8, _, _ =	vpop (xrf0)  }
0x6d: {  	(v2sf) =	vpush v3, $0xF;
	v5, _, _ =	vpop (xrf0)  }
0x6e: {  	v4, _, _ =	vpop (xrf0)  }
0x6f: {  	v3, _, _ =	vpop (xrf0)  }
0x70: {  	s17 =	sadd.s32 $0xA80, s12;
	s14 =	sadd.s32 $0x10, s14;
	v2, _, _ =	vpop (xrf0)  }
0x71: {  	s23 =	sadd.s32 $0x900, s12;
	s21 =	sadd.s32 $0x980, s12;
	s20 =	sadd.s32 $0xA00, s12;
	(v2sf) =	vpush v6, $0xF;
	v1, _, _ =	vpop (xrf0)  }
0x72: {  	s26 =	sadd.s32 $0x800, s12;
	s25 =	sadd.s32 $0x880, s12;
	s0 =	spop (v2sf)  }
0x73: {  	s1 =	spop (v2sf)  }
0x74: {  	s28 =	sadd.s32 $0x780, s12;
	s0 =	sshll.u32 s0, $0x4;
	(v2sf) =	vpush v7, $0xF;
	s1 =	sshll.u32 s1, $0x4  }
.Ltmp0:
0x75: {  	s30 =	sand.u32 $0x1FFFFFF0, s0;
	s0 =	spop (v2sf);
	(pc) =	sbr.rel @p0 .LBB2_2-.Ltmp0, $4  }
0x76: {  	s1 =	sand.u32 $0x1FFFFFF0, s1;
	s31 =	sshll.u32 s0, $0x4;
	s0 =	spop (v2sf)  }
0x77: {  	s5 =	sadd.s32 s3, s1;
	s0 =	sshll.u32 s0, $0x4;
	s4 =	spop (v2sf)  }
0x78: {  	s1 =	sand.u32 $0x1FFFFFF0, s0;
	s0 =	sshll.u32 s4, $0x4;
	s4 =	spop (v2sf);
	(v2sf) =	vpush v8, $0xF  }
0x79: {  	[tilespmem:s29], [sflag:$0x1] =	stream.linear.gather [hbm4b:s5+s2], $0x80, $0x38;
	[tilespmem:$0x10400] =	vst v63  }
0x7a: {  	s1 =	sadd.s32 s3, s1;
	s4 =	sshll.u32 s4, $0x4;
	s5 =	spop (v2sf);
	(v2sf) =	vpush v5, $0xF  }
0x7b: {  	[tilespmem:s22], [sflag:$0x1] =	stream.linear.gather [hbm4b:s1+s2], $0x80, $0x38;
	[tilespmem:$0x10400] =	vst v63  }
0x7c: {  	s0 =	sand.u32 $0x1FFFFFF0, s0;
	s4 =	sand.u32 $0x1FFFFFF0, s4;
	s13 =	sshll.u32 s5, $0x4  }
0x7d: {  	s22 =	sadd.s32 s3, s30;
	s1 =	sadd.s32 s3, s4;
	s14 =	spop (v2sf)  }
0x7e: {  	(v2sf) =	vpush v4, $0xF;
	[tilespmem:s18], [sflag:$0x1] =	stream.linear.gather [hbm4b:s1+s2], $0x80, $0x38;
	[tilespmem:$0x10400] =	vst v63  }
0x7f: {  	s4 =	sand.u32 $0x1FFFFFF0, s13;
	s13 =	sand.u32 $0x1FFFFFF0, s31;
	s5 =	sshll.u32 s14, $0x4  }
0x80: {  	(v2sf) =	vpush v3, $0xF;
	[tilespmem:s24], [sflag:$0x1] =	stream.linear.gather [hbm4b:s22+s2], $0x80, $0x38;
	[tilespmem:$0x10400] =	vst v63  }
0x81: {  	s29 =	sadd.s32 s3, s4;
	s30 =	sand.u32 $0x1FFFFFF0, s5;
	s31 =	spop (v2sf)  }
0x82: {  	[tilespmem:s15], [sflag:$0x1] =	stream.linear.gather [hbm4b:s29+s2], $0x80, $0x38;
	[tilespmem:$0x10400] =	vst v63  }
0x83: {  	s4 =	sadd.s32 s3, s30;
	(v2sf) =	vpush v2, $0xF;
	s14 =	sshll.u32 s31, $0x4;
	s15 =	spop (v2sf)  }
0x84: {  	[tilespmem:s16], [sflag:$0x1] =	stream.linear.gather [hbm4b:s4+s2], $0x80, $0x38;
	[tilespmem:$0x10400] =	vst v63  }
0x85: {  	s0 =	sadd.s32 s3, s0;
	s16 =	sand.u32 $0x1FFFFFF0, s14;
	(v2sf) =	vpush v1, $0xF;
	s18 =	sshll.u32 s15, $0x4  }
0x86: {  	[tilespmem:s19], [sflag:$0x1] =	stream.linear.gather [hbm4b:s0+s2], $0x80, $0x38;
	[tilespmem:$0x10400] =	vst v63  }
0x87: {  	s24 =	sadd.s32 s3, s16;
	s19 =	sadd.s32 s3, s13;
	s22 =	spop (v2sf)  }
0x88: {  	[tilespmem:s28], [sflag:$0x1] =	stream.linear.gather [hbm4b:s19+s2], $0x80, $0x38;
	[tilespmem:$0x10400] =	vst v63  }
0x89: {  	s4 =	sand.u32 $0x1FFFFFF0, s18;
	s28 =	sshll.u32 s22, $0x4;
	s29 =	spop (v2sf)  }
0x8a: {  	[tilespmem:s26], [sflag:$0x1] =	stream.linear.gather [hbm4b:s24+s2], $0x80, $0x38;
	[tilespmem:$0x10400] =	vst v63  }
0x8b: {  	s30 =	sadd.s32 s3, s4;
	s1 =	sand.u32 $0x1FFFFFF0, s28;
	s31 =	sshll.u32 s29, $0x4  }
0x8c: {  	[tilespmem:s25], [sflag:$0x1] =	stream.linear.gather [hbm4b:s30+s2], $0x80, $0x38;
	[tilespmem:$0x10400] =	vst v63  }
0x8d: {  	s5 =	sadd.s32 s3, s1;
	s13 =	sand.u32 $0x1FFFFFF0, s31;
	s14 =	spop (v2sf)  }
0x8e: {  	[tilespmem:s23], [sflag:$0x1] =	stream.linear.gather [hbm4b:s5+s2], $0x80, $0x38;
	[tilespmem:$0x10400] =	vst v63  }
0x8f: {  	s15 =	sadd.s32 s3, s13;
	s16 =	sshll.u32 s14, $0x4;
	s18 =	spop (v2sf)  }
0x90: {  	[tilespmem:s21], [sflag:$0x1] =	stream.linear.gather [hbm4b:s15+s2], $0x80, $0x38;
	[tilespmem:$0x10400] =	vst v63  }
0x91: {  	s19 =	sand.u32 $0x1FFFFFF0, s16;
	s21 =	sshll.u32 s18, $0x4  }
0x92: {  	s0 =	sadd.s32 s3, s19;
	s22 =	spop (v2sf);
	s1 =	sand.u32 $0x1FFFFFF0, s21  }
0x93: {  	[tilespmem:s20], [sflag:$0x1] =	stream.linear.gather [hbm4b:s0+s2], $0x80, $0x38;
	[tilespmem:$0x10400] =	vst v63  }
0x94: {  	s4 =	sshll.u32 s22, $0x4;
	s23 =	sadd.s32 s3, s1;
	s25 =	spop (v2sf)  }
0x95: {  	[tilespmem:s17], [sflag:$0x1] =	stream.linear.gather [hbm4b:s23+s2], $0x80, $0x38;
	[tilespmem:$0x10400] =	vst v63  }
0x96: {  	s24 =	sand.u32 $0x1FFFFFF0, s4;
	s4 =	sshll.u32 s25, $0x4  }
0x97: {  	s26 =	sadd.s32 $0xB00, s12;
	s1 =	sadd.s32 s3, s24;
	s28 =	sand.u32 $0x1FFFFFF0, s4  }
0x98: {  	[tilespmem:s26], [sflag:$0x1] =	stream.linear.gather [hbm4b:s1+s2], $0x80, $0x38;
	[tilespmem:$0x10400] =	vst v63  }
0x99: {  	s29 =	sadd.s32 $0xB80, s12;
	s0 =	sadd.s32 s3, s28  }
0x9a: {  	[tilespmem:s29], [sflag:$0x1] =	stream.linear.gather [hbm4b:s0+s2], $0x80, $0x38;
	[tilespmem:$0x10400] =	vst v63  }
0x9b: {  	s12 =	simm.s32 $0x200;
	s30 =	simm.s32 $0x0;
	s31 =	rddreg [dreg:$0x5]  }
0x9c: {  	[tilespmem:s12], [sflag:$0x2] =	stream.linear.gather [hbm4b:s31+s30], $0x200, $0x38;
	[tilespmem:$0x10400] =	vst v63  }
0x9d: {  	_ =	swait.ge [sflag:s8], $0x200  }
0x9e: {  	[sflag:s8] =	ssyncset.done $0x0  }
0x9f: {  	[sflag:s8] =	ssyncadd.s32 $0xFFFFFE00  }
0xa0: {  	_ =	swait.ge [sflag:s9], $0x10000  }
0xa1: {  	[sflag:s9] =	ssyncset.done $0x0  }
0xa2: {  	[sflag:s9] =	ssyncadd.s32 $0xFFFF0000  }
0xa3: {  	v1 =	vld [tilespmem:s30+$0x0];
	_ =	sdelay $0x3  }
0xa4: {  	v2 =	vmov s30  }
0xa5: {  	v2 =	vshll.u32 v2, $0x7;
	v1 =	vadd.s32 $0xFFFFFFFF, v1  }
0xa6: {  	vm1 =	vlt.u32 v1, $0x2;
	v1 =	vor.u32 v0, v2  }
0xa7: {  	v2 =	vld [tilespmem:s12+$0x0];
	v1 =	vor.u32 $0x3F, v1;
	_ =	sdelay $0x4  }
0xa8: {  	s13 =	simm.s32 $0x10;
	[tilespmem:v1+s10+$0x0] =	vst.idx.msk vm1, v2  }
0xa9: {  	s14 =	simm.s32 $0x20;
	s15 =	simm.s32 $0x10;
	v1 =	vld [tilespmem:s13+$0x0]  }
.LBB2_4:
0xaa: {  	p0 =	sne.s32 s14, $0x1F0;
	_ =	sdelay $0x2  }
0xab: {  	v2 =	vmov s13;
	s13 =	smov.u32 s14  }
0xac: {  	v2 =	vshll.u32 v2, $0x7;
	v1 =	vadd.s32 $0xFFFFFFFF, v1  }
0xad: {  	s12 =	sadd.s32 $0x10, s12;
	vm1 =	vlt.u32 v1, $0x2;
	v1 =	vor.u32 v0, v2  }
0xae: {  	v2 =	vld [tilespmem:s12+$0x0];
	v1 =	vor.u32 $0x3F, v1;
	_ =	sdelay $0x1  }
.Ltmp1:
0xaf: {  	(pc) =	sbr.rel @p0 .LBB2_4-.Ltmp1, $3  }
0xb0: {  	_ =	sdelay $0x1  }
0xb1: {  	s15 =	sadd.s32 $0x10, s15;
	[tilespmem:v1+s10+$0x0] =	vst.idx.msk vm1, v2  }
0xb2: {  	s14 =	sadd.s32 $0x10, s14;
	v1 =	vld [tilespmem:s15+$0x0]  }
0xb3: {  	_ =	sdelay $0x2  }
0xb4: {  	v2 =	vmov s13  }
0xb5: {  	v2 =	vshll.u32 v2, $0x7;
	v1 =	vadd.s32 $0xFFFFFFFF, v1  }
0xb6: {  	s0 =	sadd.s32 $0x10, s12;
	vm1 =	vlt.u32 v1, $0x2;
	v1 =	vor.u32 v0, v2  }
0xb7: {  	v2 =	vld [tilespmem:s0+$0x0];
	v1 =	vor.u32 $0x3F, v1;
	_ =	sdelay $0x2  }
0xb8: {  	s11 =	sadd.s32 $0x1, s11  }
0xb9: {  	p0 =	sne.s32 s11, s7  }
.Ltmp2:
0xba: {  	[tilespmem:v1+s10+$0x0] =	vst.idx.msk vm1, v2;
	(pc) =	sbr.rel @p0 .LBB2_1-.Ltmp2, $4  }
0xbb: {  	[hbm4b:s6+s2] =	stream.linear.scatter [tilespmem:s10], [sflag:$0x2], $0x10000, $0x38;
	[tilespmem:$0x10400] =	vst v63  }
0xbc: {  	_ =	swait.ge [sflag:s8], $0x10000  }
0xbd: {  	[sflag:s8] =	ssyncset.done $0x0  }
0xbe: {  	vm1 =	vcmask $0x308;
	[sflag:s8] =	ssyncadd.s32 $0xFFFF0000  }
0xbf: {  	_ =	sfence.sel $0x180000  }
0xc0: {  	[bflag:$0x0] =	sbarrier.arrive $0xFFFF  }
0xc1: {  	_ =	strace $0x90000047  }
0xc2: {  	s0 =	stileid.u32;
	[bflag:$0x2] =	sbarrier.arrive $0xFFFF  }
0xc3: {  	p0 =	sne.s32 s0, $0x0;
	s0 =	rddreg [dreg:$0x3]  }
0xc4: {  	s0 =	sadd.s32 @!p0 $0x100000, s0  }
0xc5: {  	[sflag:s0] =	ssyncadd.tile.s32 @!p0 $0x1;
	_ =	shalt  }
.Lfunc_end2:
_tile_overlayer_lowered:
.L_overlay_start_2:
0xc6: {  	(tag) =	ssettag $0x2  }
0xc7: {  	s0 =	rddreg [dreg:$0x0];
	s2 =	stileid.u32  }
0xc8: {  	s1 =	rddreg [dreg:$0x1];
	p0 =	sne.s32 s2, $0x0  }
0xc9: {  	s3 =	rddreg [dreg:$0x2];
	[bflag:$0x3] =	sbarrier.arrive $0xFFFF;
	s2 =	simm.s32 @!p0 $0x1C02  }
0xca: {  	[timem:s3], [sflag:s2] =	dma.local @!p0 [hbm:s0], s1  }
0xcb: {  	s0 =	simm.s32 @!p0 $0x2  }
0xcc: {  	_ =	swait.ge @!p0 [sflag:s0], s1  }
0xcd: {  	s1 =	ssub.s32 @!p0 $0x0, s1;
	[sflag:s0] =	ssyncset.done @!p0 $0x0  }
0xce: {  	[sflag:s0] =	ssyncadd.s32 @!p0 s1  }
0xcf: {  	[bflag:$0x3] =	sbarrier.arrive $0xFFFF  }
0xd0: {  	_ =	shalt  }

</sc_bundles>
